<compile_context>
chip_gen: v7x
topology: tpu7x:2x2x1
jax: 0.10.2.dev20260603
libtpu: 0.0.44.dev20260713+nightly
codegen_flags: <defaults>
</compile_context>

<pallas_src>
import functools

import jax
import jax.numpy as jnp
from jax import lax
from jax.experimental import pallas as pl
from jax.experimental.pallas import tpu as pltpu
from jax.experimental.pallas import tpu_sc as plsc


@functools.lru_cache(maxsize=None)
def _make_gather_kernel(V, D, B):
    info = plsc.get_sparse_core_info()
    num_cores, num_subcores = 1, info.num_subcores
    num_workers = num_cores * num_subcores
    assert B % num_workers == 0
    b_per_w = B // num_workers

    n_chunks = 8
    rows_per_chunk = b_per_w // n_chunks

    mesh = plsc.VectorSubcoreMesh(
        core_axis_name="c", subcore_axis_name="s", num_cores=num_cores
    )

    @functools.partial(
        pl.kernel,
        mesh=mesh,
        out_type=jax.ShapeDtypeStruct((B, D), jnp.float32),
        scratch_types=[
            pltpu.VMEM((b_per_w,), jnp.int32),
            pltpu.VMEM((b_per_w, D), jnp.float32),
            pltpu.SemaphoreType.DMA,
            [pltpu.SemaphoreType.DMA] * n_chunks,
            pltpu.SemaphoreType.DMA,
        ],
    )
    def gather_kernel(idx_hbm, table_hbm, out_hbm, idx_v, rows_v, isem, gsems, osem):
        wid = lax.axis_index("s") * num_cores + lax.axis_index("c")
        base = wid * b_per_w
        idx_loads = []
        for c in range(n_chunks):
            lo = c * rows_per_chunk
            idx_loads.append(
                pltpu.async_copy(
                    idx_hbm.at[pl.ds(base + lo, rows_per_chunk)],
                    idx_v.at[pl.ds(lo, rows_per_chunk)],
                    isem,
                )
            )
        gathers = []
        for c in range(n_chunks):
            idx_loads[c].wait()
            lo = c * rows_per_chunk
            gathers.append(
                pltpu.async_copy(
                    table_hbm.at[idx_v.at[pl.ds(lo, rows_per_chunk)]],
                    rows_v.at[pl.ds(lo, rows_per_chunk)],
                    gsems[c],
                )
            )
        writes = []
        for c in range(n_chunks):
            gathers[c].wait()
            lo = c * rows_per_chunk
            writes.append(
                pltpu.async_copy(
                    rows_v.at[pl.ds(lo, rows_per_chunk)],
                    out_hbm.at[pl.ds(base + lo, rows_per_chunk)],
                    osem,
                )
            )
        for w in writes:
            w.wait()

    return gather_kernel


@jax.jit
def kernel(inputs, weights):
    (B,) = inputs.shape
    V, D = weights.shape
    gather = _make_gather_kernel(V, D, B)
    return gather(inputs, weights)

# --- scband reference (transcript-rebuilt; emitter-appended) ---
"""Pipeline reference for scband-casted-sparse-embedding-36077725286990 (READ-ONLY COPY).

The authoritative reference and input builder live on the scoring server;
editing this copy changes nothing except your own understanding.
"""

import jax, jax.numpy as jnp
import numpy as np

NUM_EMBEDDINGS = 100000
EMBEDDING_DIM = 128
BATCH_SIZE = 4096
INIT_STD = 0.02

def _trunc_normal(key, shape, std):
    # Approximate nn.init.trunc_normal_(std=std, a=-2*std, b=2*std)
    # via rejection-free clipped resampling using truncated normal sampler.
    u = jax.random.truncated_normal(key, -2.0, 2.0, shape, dtype=jnp.float32)
    return u * std

def setup_inputs(seed: int = 0) -> dict:
    key = jax.random.key(seed)
    k_idx, k_w = jax.random.split(key)
    inputs = jax.random.randint(k_idx, (BATCH_SIZE,), 0, NUM_EMBEDDINGS, dtype=jnp.int64 if jax.config.jax_enable_x64 else jnp.int32).astype(jnp.int32)
    weights = _trunc_normal(k_w, (NUM_EMBEDDINGS, EMBEDDING_DIM), INIT_STD)
    return {"inputs": inputs, "weights": weights}

def reference(inputs, weights):
    # Faithful to CastedSparseEmbedding.forward:
    # training path copies weights[inputs] into local_weights and returns it cast
    # to self.dtype; eval path returns weights[inputs].to(dtype). Both compute
    # the same values: a row gather followed by a dtype cast.
    gathered = jnp.take(weights, inputs, axis=0)
    return gathered.astype(jnp.float32)

if __name__ == "__main__":
    import jax
    _d = setup_inputs()
    print(jax.jit(kernel)(*tuple(_d.values())))

</pallas_src>

<mosaic_0001>
#map = affine_map<(d0, d1) -> (0)>
#map1 = affine_map<(d0, d1) -> (0, 0)>
module attributes {stable_mosaic.version = 14 : i64} {
  func.func @gather_kernel(%arg0: i32, %arg1: i32, %arg2: memref<4096xi32, #tpu.memory_space<hbm>>, %arg3: memref<100000x128xf32, #tpu.memory_space<hbm>>, %arg4: memref<4096x128xf32, #tpu.memory_space<hbm>>, %arg5: memref<256xi32, #tpu.memory_space<vmem>>, %arg6: memref<256x128xf32, #tpu.memory_space<vmem>>, %arg7: memref<!tpu.dma_semaphore, #tpu.memory_space<semaphore_mem>>, %arg8: memref<!tpu.dma_semaphore, #tpu.memory_space<semaphore_mem>>, %arg9: memref<!tpu.dma_semaphore, #tpu.memory_space<semaphore_mem>>, %arg10: memref<!tpu.dma_semaphore, #tpu.memory_space<semaphore_mem>>, %arg11: memref<!tpu.dma_semaphore, #tpu.memory_space<semaphore_mem>>, %arg12: memref<!tpu.dma_semaphore, #tpu.memory_space<semaphore_mem>>, %arg13: memref<!tpu.dma_semaphore, #tpu.memory_space<semaphore_mem>>, %arg14: memref<!tpu.dma_semaphore, #tpu.memory_space<semaphore_mem>>, %arg15: memref<!tpu.dma_semaphore, #tpu.memory_space<semaphore_mem>>, %arg16: memref<!tpu.dma_semaphore, #tpu.memory_space<semaphore_mem>>) attributes {dimension_semantics = [#tpu.dimension_semantics<core_parallel>, #tpu.dimension_semantics<subcore_parallel>], iteration_bounds = array<i64: 1, 16>, scalar_prefetch = 0 : i64, scratch_operands = 12 : i64, tpu.core_type = #tpu.core_type<sc_vector_subcore>, window_params = [{transform_indices = #map}, {transform_indices = #map1}, {transform_indices = #map1}]} {
    %mul3A = arith.constant 1 : i32
    %mul3A_0 = arith.muli %arg1, %mul3A : i32
    %add3A = arith.addi %mul3A_0, %arg0 : i32
    %mul3A_1 = arith.constant 256 : i32
    %mul3A_2 = arith.muli %add3A, %mul3A_1 : i32
    %add3A_3 = arith.constant 0 : i32
    %add3A_4 = arith.addi %mul3A_2, %add3A_3 : i32
    %dma_start3A = arith.constant 0 : i32
    %dma_start3A_5 = tpu.memref_slice %arg5[%dma_start3A] : memref<256xi32, #tpu.memory_space<vmem>> -> memref<32xi32, #tpu.memory_space<vmem>>
    %dma_start3A_6 = tpu.memref_slice %arg2[%add3A_4] : memref<4096xi32, #tpu.memory_space<hbm>> -> memref<32xi32, #tpu.memory_space<hbm>>
    %dma_start3A_7 = arith.constant 0 : i32
    %dma_start3A_8 = tpu.memref_slice %arg5[%dma_start3A_7] : memref<256xi32, #tpu.memory_space<vmem>> -> memref<32xi32, #tpu.memory_space<vmem>>
    %dma_start3A_9 = tpu.memref_slice %arg2[%add3A_4] : memref<4096xi32, #tpu.memory_space<hbm>> -> memref<32xi32, #tpu.memory_space<hbm>>
    tpu.enqueue_dma source(%dma_start3A_9 : memref<32xi32, #tpu.memory_space<hbm>>) target(%dma_start3A_8 : memref<32xi32, #tpu.memory_space<vmem>>) target_semaphore(%arg7 : memref<!tpu.dma_semaphore, #tpu.memory_space<semaphore_mem>>)
    %add3A_10 = arith.constant 32 : i32
    %add3A_11 = arith.addi %mul3A_2, %add3A_10 : i32
    %dma_start3A_12 = arith.constant 32 : i32
    %dma_start3A_13 = tpu.memref_slice %arg5[%dma_start3A_12] : memref<256xi32, #tpu.memory_space<vmem>> -> memref<32xi32, #tpu.memory_space<vmem>>
    %dma_start3A_14 = tpu.memref_slice %arg2[%add3A_11] : memref<4096xi32, #tpu.memory_space<hbm>> -> memref<32xi32, #tpu.memory_space<hbm>>
    %dma_start3A_15 = arith.constant 32 : i32
    %dma_start3A_16 = tpu.memref_slice %arg5[%dma_start3A_15] : memref<256xi32, #tpu.memory_space<vmem>> -> memref<32xi32, #tpu.memory_space<vmem>>
    %dma_start3A_17 = tpu.memref_slice %arg2[%add3A_11] : memref<4096xi32, #tpu.memory_space<hbm>> -> memref<32xi32, #tpu.memory_space<hbm>>
    tpu.enqueue_dma source(%dma_start3A_17 : memref<32xi32, #tpu.memory_space<hbm>>) target(%dma_start3A_16 : memref<32xi32, #tpu.memory_space<vmem>>) target_semaphore(%arg7 : memref<!tpu.dma_semaphore, #tpu.memory_space<semaphore_mem>>)
    %add3A_18 = arith.constant 64 : i32
    %add3A_19 = arith.addi %mul3A_2, %add3A_18 : i32
    %dma_start3A_20 = arith.constant 64 : i32
    %dma_start3A_21 = tpu.memref_slice %arg5[%dma_start3A_20] : memref<256xi32, #tpu.memory_space<vmem>> -> memref<32xi32, #tpu.memory_space<vmem>>
    %dma_start3A_22 = tpu.memref_slice %arg2[%add3A_19] : memref<4096xi32, #tpu.memory_space<hbm>> -> memref<32xi32, #tpu.memory_space<hbm>>
    %dma_start3A_23 = arith.constant 64 : i32
    %dma_start3A_24 = tpu.memref_slice %arg5[%dma_start3A_23] : memref<256xi32, #tpu.memory_space<vmem>> -> memref<32xi32, #tpu.memory_space<vmem>>
    %dma_start3A_25 = tpu.memref_slice %arg2[%add3A_19] : memref<4096xi32, #tpu.memory_space<hbm>> -> memref<32xi32, #tpu.memory_space<hbm>>
    tpu.enqueue_dma source(%dma_start3A_25 : memref<32xi32, #tpu.memory_space<hbm>>) target(%dma_start3A_24 : memref<32xi32, #tpu.memory_space<vmem>>) target_semaphore(%arg7 : memref<!tpu.dma_semaphore, #tpu.memory_space<semaphore_mem>>)
    %add3A_26 = arith.constant 96 : i32
    %add3A_27 = arith.addi %mul3A_2, %add3A_26 : i32
    %dma_start3A_28 = arith.constant 96 : i32
    %dma_start3A_29 = tpu.memref_slice %arg5[%dma_start3A_28] : memref<256xi32, #tpu.memory_space<vmem>> -> memref<32xi32, #tpu.memory_space<vmem>>
    %dma_start3A_30 = tpu.memref_slice %arg2[%add3A_27] : memref<4096xi32, #tpu.memory_space<hbm>> -> memref<32xi32, #tpu.memory_space<hbm>>
    %dma_start3A_31 = arith.constant 96 : i32
    %dma_start3A_32 = tpu.memref_slice %arg5[%dma_start3A_31] : memref<256xi32, #tpu.memory_space<vmem>> -> memref<32xi32, #tpu.memory_space<vmem>>
    %dma_start3A_33 = tpu.memref_slice %arg2[%add3A_27] : memref<4096xi32, #tpu.memory_space<hbm>> -> memref<32xi32, #tpu.memory_space<hbm>>
    tpu.enqueue_dma source(%dma_start3A_33 : memref<32xi32, #tpu.memory_space<hbm>>) target(%dma_start3A_32 : memref<32xi32, #tpu.memory_space<vmem>>) target_semaphore(%arg7 : memref<!tpu.dma_semaphore, #tpu.memory_space<semaphore_mem>>)
    %add3A_34 = arith.constant 128 : i32
    %add3A_35 = arith.addi %mul3A_2, %add3A_34 : i32
    %dma_start3A_36 = arith.constant 128 : i32
    %dma_start3A_37 = tpu.memref_slice %arg5[%dma_start3A_36] : memref<256xi32, #tpu.memory_space<vmem>> -> memref<32xi32, #tpu.memory_space<vmem>>
    %dma_start3A_38 = tpu.memref_slice %arg2[%add3A_35] : memref<4096xi32, #tpu.memory_space<hbm>> -> memref<32xi32, #tpu.memory_space<hbm>>
    %dma_start3A_39 = arith.constant 128 : i32
    %dma_start3A_40 = tpu.memref_slice %arg5[%dma_start3A_39] : memref<256xi32, #tpu.memory_space<vmem>> -> memref<32xi32, #tpu.memory_space<vmem>>
    %dma_start3A_41 = tpu.memref_slice %arg2[%add3A_35] : memref<4096xi32, #tpu.memory_space<hbm>> -> memref<32xi32, #tpu.memory_space<hbm>>
    tpu.enqueue_dma source(%dma_start3A_41 : memref<32xi32, #tpu.memory_space<hbm>>) target(%dma_start3A_40 : memref<32xi32, #tpu.memory_space<vmem>>) target_semaphore(%arg7 : memref<!tpu.dma_semaphore, #tpu.memory_space<semaphore_mem>>)
    %add3A_42 = arith.constant 160 : i32
    %add3A_43 = arith.addi %mul3A_2, %add3A_42 : i32
    %dma_start3A_44 = arith.constant 160 : i32
    %dma_start3A_45 = tpu.memref_slice %arg5[%dma_start3A_44] : memref<256xi32, #tpu.memory_space<vmem>> -> memref<32xi32, #tpu.memory_space<vmem>>
    %dma_start3A_46 = tpu.memref_slice %arg2[%add3A_43] : memref<4096xi32, #tpu.memory_space<hbm>> -> memref<32xi32, #tpu.memory_space<hbm>>
    %dma_start3A_47 = arith.constant 160 : i32
    %dma_start3A_48 = tpu.memref_slice %arg5[%dma_start3A_47] : memref<256xi32, #tpu.memory_space<vmem>> -> memref<32xi32, #tpu.memory_space<vmem>>
    %dma_start3A_49 = tpu.memref_slice %arg2[%add3A_43] : memref<4096xi32, #tpu.memory_space<hbm>> -> memref<32xi32, #tpu.memory_space<hbm>>
    tpu.enqueue_dma source(%dma_start3A_49 : memref<32xi32, #tpu.memory_space<hbm>>) target(%dma_start3A_48 : memref<32xi32, #tpu.memory_space<vmem>>) target_semaphore(%arg7 : memref<!tpu.dma_semaphore, #tpu.memory_space<semaphore_mem>>)
    %add3A_50 = arith.constant 192 : i32
    %add3A_51 = arith.addi %mul3A_2, %add3A_50 : i32
    %dma_start3A_52 = arith.constant 192 : i32
    %dma_start3A_53 = tpu.memref_slice %arg5[%dma_start3A_52] : memref<256xi32, #tpu.memory_space<vmem>> -> memref<32xi32, #tpu.memory_space<vmem>>
    %dma_start3A_54 = tpu.memref_slice %arg2[%add3A_51] : memref<4096xi32, #tpu.memory_space<hbm>> -> memref<32xi32, #tpu.memory_space<hbm>>
    %dma_start3A_55 = arith.constant 192 : i32
    %dma_start3A_56 = tpu.memref_slice %arg5[%dma_start3A_55] : memref<256xi32, #tpu.memory_space<vmem>> -> memref<32xi32, #tpu.memory_space<vmem>>
    %dma_start3A_57 = tpu.memref_slice %arg2[%add3A_51] : memref<4096xi32, #tpu.memory_space<hbm>> -> memref<32xi32, #tpu.memory_space<hbm>>
    tpu.enqueue_dma source(%dma_start3A_57 : memref<32xi32, #tpu.memory_space<hbm>>) target(%dma_start3A_56 : memref<32xi32, #tpu.memory_space<vmem>>) target_semaphore(%arg7 : memref<!tpu.dma_semaphore, #tpu.memory_space<semaphore_mem>>)
    %add3A_58 = arith.constant 224 : i32
    %add3A_59 = arith.addi %mul3A_2, %add3A_58 : i32
    %dma_start3A_60 = arith.constant 224 : i32
    %dma_start3A_61 = tpu.memref_slice %arg5[%dma_start3A_60] : memref<256xi32, #tpu.memory_space<vmem>> -> memref<32xi32, #tpu.memory_space<vmem>>
    %dma_start3A_62 = tpu.memref_slice %arg2[%add3A_59] : memref<4096xi32, #tpu.memory_space<hbm>> -> memref<32xi32, #tpu.memory_space<hbm>>
    %dma_start3A_63 = arith.constant 224 : i32
    %dma_start3A_64 = tpu.memref_slice %arg5[%dma_start3A_63] : memref<256xi32, #tpu.memory_space<vmem>> -> memref<32xi32, #tpu.memory_space<vmem>>
    %dma_start3A_65 = tpu.memref_slice %arg2[%add3A_59] : memref<4096xi32, #tpu.memory_space<hbm>> -> memref<32xi32, #tpu.memory_space<hbm>>
    tpu.enqueue_dma source(%dma_start3A_65 : memref<32xi32, #tpu.memory_space<hbm>>) target(%dma_start3A_64 : memref<32xi32, #tpu.memory_space<vmem>>) target_semaphore(%arg7 : memref<!tpu.dma_semaphore, #tpu.memory_space<semaphore_mem>>)
    %dma_wait3A = arith.constant 0 : i32
    %dma_wait3A_66 = tpu.memref_slice %arg5[%dma_wait3A] : memref<256xi32, #tpu.memory_space<vmem>> -> memref<32xi32, #tpu.memory_space<vmem>>
    %dma_wait3A_67 = tpu.memref_slice %arg2[%add3A_4] : memref<4096xi32, #tpu.memory_space<hbm>> -> memref<32xi32, #tpu.memory_space<hbm>>
    %dma_wait3A_68 = arith.constant 0 : i32
    %dma_wait3A_69 = tpu.memref_slice %arg5[%dma_wait3A_68] : memref<256xi32, #tpu.memory_space<vmem>> -> memref<32xi32, #tpu.memory_space<vmem>>
    %dma_wait3A_70 = tpu.memref_slice %arg2[%add3A_4] : memref<4096xi32, #tpu.memory_space<hbm>> -> memref<32xi32, #tpu.memory_space<hbm>>
    tpu.wait_dma2 semaphore(%arg7 : memref<!tpu.dma_semaphore, #tpu.memory_space<semaphore_mem>>) src(%dma_wait3A_70 : memref<32xi32, #tpu.memory_space<hbm>>) dst(%dma_wait3A_69 : memref<32xi32, #tpu.memory_space<vmem>>)
    %dma_start3A_71 = arith.constant 0 : i32
    %dma_start3A_72 = arith.constant 0 : i32
    %dma_start3A_73 = tpu.memref_slice %arg6[%dma_start3A_71, %dma_start3A_72] : memref<256x128xf32, #tpu.memory_space<vmem>> -> memref<32x128xf32, #tpu.memory_space<vmem>>
    %dma_start3A_74 = arith.constant 0 : i32
    %dma_start3A_75 = tpu.memref_slice %arg5[%dma_start3A_74] : memref<256xi32, #tpu.memory_space<vmem>> -> memref<32xi32, #tpu.memory_space<vmem>>
    %dma_start3A_76 = arith.constant 0 : i32
    %dma_start3A_77 = arith.constant 0 : i32
    %dma_start3A_78 = tpu.memref_slice %arg3[%dma_start3A_76, %dma_start3A_77] : memref<100000x128xf32, #tpu.memory_space<hbm>> -> memref<100000x128xf32, #tpu.memory_space<hbm>>
    tpu.enqueue_indirect_dma source(%dma_start3A_78 : memref<100000x128xf32, #tpu.memory_space<hbm>>) target(%dma_start3A_73 : memref<32x128xf32, #tpu.memory_space<vmem>>) offsets(%dma_start3A_75 : memref<32xi32, #tpu.memory_space<vmem>>) semaphore(%arg8 : memref<!tpu.dma_semaphore, #tpu.memory_space<semaphore_mem>>)
    %dma_wait3A_79 = arith.constant 32 : i32
    %dma_wait3A_80 = tpu.memref_slice %arg5[%dma_wait3A_79] : memref<256xi32, #tpu.memory_space<vmem>> -> memref<32xi32, #tpu.memory_space<vmem>>
    %dma_wait3A_81 = tpu.memref_slice %arg2[%add3A_11] : memref<4096xi32, #tpu.memory_space<hbm>> -> memref<32xi32, #tpu.memory_space<hbm>>
    %dma_wait3A_82 = arith.constant 32 : i32
    %dma_wait3A_83 = tpu.memref_slice %arg5[%dma_wait3A_82] : memref<256xi32, #tpu.memory_space<vmem>> -> memref<32xi32, #tpu.memory_space<vmem>>
    %dma_wait3A_84 = tpu.memref_slice %arg2[%add3A_11] : memref<4096xi32, #tpu.memory_space<hbm>> -> memref<32xi32, #tpu.memory_space<hbm>>
    tpu.wait_dma2 semaphore(%arg7 : memref<!tpu.dma_semaphore, #tpu.memory_space<semaphore_mem>>) src(%dma_wait3A_84 : memref<32xi32, #tpu.memory_space<hbm>>) dst(%dma_wait3A_83 : memref<32xi32, #tpu.memory_space<vmem>>)
    %dma_start3A_85 = arith.constant 32 : i32
    %dma_start3A_86 = arith.constant 0 : i32
    %dma_start3A_87 = tpu.memref_slice %arg6[%dma_start3A_85, %dma_start3A_86] : memref<256x128xf32, #tpu.memory_space<vmem>> -> memref<32x128xf32, #tpu.memory_space<vmem>>
    %dma_start3A_88 = arith.constant 32 : i32
    %dma_start3A_89 = tpu.memref_slice %arg5[%dma_start3A_88] : memref<256xi32, #tpu.memory_space<vmem>> -> memref<32xi32, #tpu.memory_space<vmem>>
    %dma_start3A_90 = arith.constant 0 : i32
    %dma_start3A_91 = arith.constant 0 : i32
    %dma_start3A_92 = tpu.memref_slice %arg3[%dma_start3A_90, %dma_start3A_91] : memref<100000x128xf32, #tpu.memory_space<hbm>> -> memref<100000x128xf32, #tpu.memory_space<hbm>>
    tpu.enqueue_indirect_dma source(%dma_start3A_92 : memref<100000x128xf32, #tpu.memory_space<hbm>>) target(%dma_start3A_87 : memref<32x128xf32, #tpu.memory_space<vmem>>) offsets(%dma_start3A_89 : memref<32xi32, #tpu.memory_space<vmem>>) semaphore(%arg9 : memref<!tpu.dma_semaphore, #tpu.memory_space<semaphore_mem>>)
    %dma_wait3A_93 = arith.constant 64 : i32
    %dma_wait3A_94 = tpu.memref_slice %arg5[%dma_wait3A_93] : memref<256xi32, #tpu.memory_space<vmem>> -> memref<32xi32, #tpu.memory_space<vmem>>
    %dma_wait3A_95 = tpu.memref_slice %arg2[%add3A_19] : memref<4096xi32, #tpu.memory_space<hbm>> -> memref<32xi32, #tpu.memory_space<hbm>>
    %dma_wait3A_96 = arith.constant 64 : i32
    %dma_wait3A_97 = tpu.memref_slice %arg5[%dma_wait3A_96] : memref<256xi32, #tpu.memory_space<vmem>> -> memref<32xi32, #tpu.memory_space<vmem>>
    %dma_wait3A_98 = tpu.memref_slice %arg2[%add3A_19] : memref<4096xi32, #tpu.memory_space<hbm>> -> memref<32xi32, #tpu.memory_space<hbm>>
    tpu.wait_dma2 semaphore(%arg7 : memref<!tpu.dma_semaphore, #tpu.memory_space<semaphore_mem>>) src(%dma_wait3A_98 : memref<32xi32, #tpu.memory_space<hbm>>) dst(%dma_wait3A_97 : memref<32xi32, #tpu.memory_space<vmem>>)
    %dma_start3A_99 = arith.constant 64 : i32
    %dma_start3A_100 = arith.constant 0 : i32
    %dma_start3A_101 = tpu.memref_slice %arg6[%dma_start3A_99, %dma_start3A_100] : memref<256x128xf32, #tpu.memory_space<vmem>> -> memref<32x128xf32, #tpu.memory_space<vmem>>
    %dma_start3A_102 = arith.constant 64 : i32
    %dma_start3A_103 = tpu.memref_slice %arg5[%dma_start3A_102] : memref<256xi32, #tpu.memory_space<vmem>> -> memref<32xi32, #tpu.memory_space<vmem>>
    %dma_start3A_104 = arith.constant 0 : i32
    %dma_start3A_105 = arith.constant 0 : i32
    %dma_start3A_106 = tpu.memref_slice %arg3[%dma_start3A_104, %dma_start3A_105] : memref<100000x128xf32, #tpu.memory_space<hbm>> -> memref<100000x128xf32, #tpu.memory_space<hbm>>
    tpu.enqueue_indirect_dma source(%dma_start3A_106 : memref<100000x128xf32, #tpu.memory_space<hbm>>) target(%dma_start3A_101 : memref<32x128xf32, #tpu.memory_space<vmem>>) offsets(%dma_start3A_103 : memref<32xi32, #tpu.memory_space<vmem>>) semaphore(%arg10 : memref<!tpu.dma_semaphore, #tpu.memory_space<semaphore_mem>>)
    %dma_wait3A_107 = arith.constant 96 : i32
    %dma_wait3A_108 = tpu.memref_slice %arg5[%dma_wait3A_107] : memref<256xi32, #tpu.memory_space<vmem>> -> memref<32xi32, #tpu.memory_space<vmem>>
    %dma_wait3A_109 = tpu.memref_slice %arg2[%add3A_27] : memref<4096xi32, #tpu.memory_space<hbm>> -> memref<32xi32, #tpu.memory_space<hbm>>
    %dma_wait3A_110 = arith.constant 96 : i32
    %dma_wait3A_111 = tpu.memref_slice %arg5[%dma_wait3A_110] : memref<256xi32, #tpu.memory_space<vmem>> -> memref<32xi32, #tpu.memory_space<vmem>>
    %dma_wait3A_112 = tpu.memref_slice %arg2[%add3A_27] : memref<4096xi32, #tpu.memory_space<hbm>> -> memref<32xi32, #tpu.memory_space<hbm>>
    tpu.wait_dma2 semaphore(%arg7 : memref<!tpu.dma_semaphore, #tpu.memory_space<semaphore_mem>>) src(%dma_wait3A_112 : memref<32xi32, #tpu.memory_space<hbm>>) dst(%dma_wait3A_111 : memref<32xi32, #tpu.memory_space<vmem>>)
    %dma_start3A_113 = arith.constant 96 : i32
    %dma_start3A_114 = arith.constant 0 : i32
    %dma_start3A_115 = tpu.memref_slice %arg6[%dma_start3A_113, %dma_start3A_114] : memref<256x128xf32, #tpu.memory_space<vmem>> -> memref<32x128xf32, #tpu.memory_space<vmem>>
    %dma_start3A_116 = arith.constant 96 : i32
    %dma_start3A_117 = tpu.memref_slice %arg5[%dma_start3A_116] : memref<256xi32, #tpu.memory_space<vmem>> -> memref<32xi32, #tpu.memory_space<vmem>>
    %dma_start3A_118 = arith.constant 0 : i32
    %dma_start3A_119 = arith.constant 0 : i32
    %dma_start3A_120 = tpu.memref_slice %arg3[%dma_start3A_118, %dma_start3A_119] : memref<100000x128xf32, #tpu.memory_space<hbm>> -> memref<100000x128xf32, #tpu.memory_space<hbm>>
    tpu.enqueue_indirect_dma source(%dma_start3A_120 : memref<100000x128xf32, #tpu.memory_space<hbm>>) target(%dma_start3A_115 : memref<32x128xf32, #tpu.memory_space<vmem>>) offsets(%dma_start3A_117 : memref<32xi32, #tpu.memory_space<vmem>>) semaphore(%arg11 : memref<!tpu.dma_semaphore, #tpu.memory_space<semaphore_mem>>)
    %dma_wait3A_121 = arith.constant 128 : i32
    %dma_wait3A_122 = tpu.memref_slice %arg5[%dma_wait3A_121] : memref<256xi32, #tpu.memory_space<vmem>> -> memref<32xi32, #tpu.memory_space<vmem>>
    %dma_wait3A_123 = tpu.memref_slice %arg2[%add3A_35] : memref<4096xi32, #tpu.memory_space<hbm>> -> memref<32xi32, #tpu.memory_space<hbm>>
    %dma_wait3A_124 = arith.constant 128 : i32
    %dma_wait3A_125 = tpu.memref_slice %arg5[%dma_wait3A_124] : memref<256xi32, #tpu.memory_space<vmem>> -> memref<32xi32, #tpu.memory_space<vmem>>
    %dma_wait3A_126 = tpu.memref_slice %arg2[%add3A_35] : memref<4096xi32, #tpu.memory_space<hbm>> -> memref<32xi32, #tpu.memory_space<hbm>>
    tpu.wait_dma2 semaphore(%arg7 : memref<!tpu.dma_semaphore, #tpu.memory_space<semaphore_mem>>) src(%dma_wait3A_126 : memref<32xi32, #tpu.memory_space<hbm>>) dst(%dma_wait3A_125 : memref<32xi32, #tpu.memory_space<vmem>>)
    %dma_start3A_127 = arith.constant 128 : i32
    %dma_start3A_128 = arith.constant 0 : i32
    %dma_start3A_129 = tpu.memref_slice %arg6[%dma_start3A_127, %dma_start3A_128] : memref<256x128xf32, #tpu.memory_space<vmem>> -> memref<32x128xf32, #tpu.memory_space<vmem>>
    %dma_start3A_130 = arith.constant 128 : i32
    %dma_start3A_131 = tpu.memref_slice %arg5[%dma_start3A_130] : memref<256xi32, #tpu.memory_space<vmem>> -> memref<32xi32, #tpu.memory_space<vmem>>
    %dma_start3A_132 = arith.constant 0 : i32
    %dma_start3A_133 = arith.constant 0 : i32
    %dma_start3A_134 = tpu.memref_slice %arg3[%dma_start3A_132, %dma_start3A_133] : memref<100000x128xf32, #tpu.memory_space<hbm>> -> memref<100000x128xf32, #tpu.memory_space<hbm>>
    tpu.enqueue_indirect_dma source(%dma_start3A_134 : memref<100000x128xf32, #tpu.memory_space<hbm>>) target(%dma_start3A_129 : memref<32x128xf32, #tpu.memory_space<vmem>>) offsets(%dma_start3A_131 : memref<32xi32, #tpu.memory_space<vmem>>) semaphore(%arg12 : memref<!tpu.dma_semaphore, #tpu.memory_space<semaphore_mem>>)
    %dma_wait3A_135 = arith.constant 160 : i32
    %dma_wait3A_136 = tpu.memref_slice %arg5[%dma_wait3A_135] : memref<256xi32, #tpu.memory_space<vmem>> -> memref<32xi32, #tpu.memory_space<vmem>>
    %dma_wait3A_137 = tpu.memref_slice %arg2[%add3A_43] : memref<4096xi32, #tpu.memory_space<hbm>> -> memref<32xi32, #tpu.memory_space<hbm>>
    %dma_wait3A_138 = arith.constant 160 : i32
    %dma_wait3A_139 = tpu.memref_slice %arg5[%dma_wait3A_138] : memref<256xi32, #tpu.memory_space<vmem>> -> memref<32xi32, #tpu.memory_space<vmem>>
    %dma_wait3A_140 = tpu.memref_slice %arg2[%add3A_43] : memref<4096xi32, #tpu.memory_space<hbm>> -> memref<32xi32, #tpu.memory_space<hbm>>
    tpu.wait_dma2 semaphore(%arg7 : memref<!tpu.dma_semaphore, #tpu.memory_space<semaphore_mem>>) src(%dma_wait3A_140 : memref<32xi32, #tpu.memory_space<hbm>>) dst(%dma_wait3A_139 : memref<32xi32, #tpu.memory_space<vmem>>)
    %dma_start3A_141 = arith.constant 160 : i32
    %dma_start3A_142 = arith.constant 0 : i32
    %dma_start3A_143 = tpu.memref_slice %arg6[%dma_start3A_141, %dma_start3A_142] : memref<256x128xf32, #tpu.memory_space<vmem>> -> memref<32x128xf32, #tpu.memory_space<vmem>>
    %dma_start3A_144 = arith.constant 160 : i32
    %dma_start3A_145 = tpu.memref_slice %arg5[%dma_start3A_144] : memref<256xi32, #tpu.memory_space<vmem>> -> memref<32xi32, #tpu.memory_space<vmem>>
    %dma_start3A_146 = arith.constant 0 : i32
    %dma_start3A_147 = arith.constant 0 : i32
    %dma_start3A_148 = tpu.memref_slice %arg3[%dma_start3A_146, %dma_start3A_147] : memref<100000x128xf32, #tpu.memory_space<hbm>> -> memref<100000x128xf32, #tpu.memory_space<hbm>>
    tpu.enqueue_indirect_dma source(%dma_start3A_148 : memref<100000x128xf32, #tpu.memory_space<hbm>>) target(%dma_start3A_143 : memref<32x128xf32, #tpu.memory_space<vmem>>) offsets(%dma_start3A_145 : memref<32xi32, #tpu.memory_space<vmem>>) semaphore(%arg13 : memref<!tpu.dma_semaphore, #tpu.memory_space<semaphore_mem>>)
    %dma_wait3A_149 = arith.constant 192 : i32
    %dma_wait3A_150 = tpu.memref_slice %arg5[%dma_wait3A_149] : memref<256xi32, #tpu.memory_space<vmem>> -> memref<32xi32, #tpu.memory_space<vmem>>
    %dma_wait3A_151 = tpu.memref_slice %arg2[%add3A_51] : memref<4096xi32, #tpu.memory_space<hbm>> -> memref<32xi32, #tpu.memory_space<hbm>>
    %dma_wait3A_152 = arith.constant 192 : i32
    %dma_wait3A_153 = tpu.memref_slice %arg5[%dma_wait3A_152] : memref<256xi32, #tpu.memory_space<vmem>> -> memref<32xi32, #tpu.memory_space<vmem>>
    %dma_wait3A_154 = tpu.memref_slice %arg2[%add3A_51] : memref<4096xi32, #tpu.memory_space<hbm>> -> memref<32xi32, #tpu.memory_space<hbm>>
    tpu.wait_dma2 semaphore(%arg7 : memref<!tpu.dma_semaphore, #tpu.memory_space<semaphore_mem>>) src(%dma_wait3A_154 : memref<32xi32, #tpu.memory_space<hbm>>) dst(%dma_wait3A_153 : memref<32xi32, #tpu.memory_space<vmem>>)
    %dma_start3A_155 = arith.constant 192 : i32
    %dma_start3A_156 = arith.constant 0 : i32
    %dma_start3A_157 = tpu.memref_slice %arg6[%dma_start3A_155, %dma_start3A_156] : memref<256x128xf32, #tpu.memory_space<vmem>> -> memref<32x128xf32, #tpu.memory_space<vmem>>
    %dma_start3A_158 = arith.constant 192 : i32
    %dma_start3A_159 = tpu.memref_slice %arg5[%dma_start3A_158] : memref<256xi32, #tpu.memory_space<vmem>> -> memref<32xi32, #tpu.memory_space<vmem>>
    %dma_start3A_160 = arith.constant 0 : i32
    %dma_start3A_161 = arith.constant 0 : i32
    %dma_start3A_162 = tpu.memref_slice %arg3[%dma_start3A_160, %dma_start3A_161] : memref<100000x128xf32, #tpu.memory_space<hbm>> -> memref<100000x128xf32, #tpu.memory_space<hbm>>
    tpu.enqueue_indirect_dma source(%dma_start3A_162 : memref<100000x128xf32, #tpu.memory_space<hbm>>) target(%dma_start3A_157 : memref<32x128xf32, #tpu.memory_space<vmem>>) offsets(%dma_start3A_159 : memref<32xi32, #tpu.memory_space<vmem>>) semaphore(%arg14 : memref<!tpu.dma_semaphore, #tpu.memory_space<semaphore_mem>>)
    %dma_wait3A_163 = arith.constant 224 : i32
    %dma_wait3A_164 = tpu.memref_slice %arg5[%dma_wait3A_163] : memref<256xi32, #tpu.memory_space<vmem>> -> memref<32xi32, #tpu.memory_space<vmem>>
    %dma_wait3A_165 = tpu.memref_slice %arg2[%add3A_59] : memref<4096xi32, #tpu.memory_space<hbm>> -> memref<32xi32, #tpu.memory_space<hbm>>
    %dma_wait3A_166 = arith.constant 224 : i32
    %dma_wait3A_167 = tpu.memref_slice %arg5[%dma_wait3A_166] : memref<256xi32, #tpu.memory_space<vmem>> -> memref<32xi32, #tpu.memory_space<vmem>>
    %dma_wait3A_168 = tpu.memref_slice %arg2[%add3A_59] : memref<4096xi32, #tpu.memory_space<hbm>> -> memref<32xi32, #tpu.memory_space<hbm>>
    tpu.wait_dma2 semaphore(%arg7 : memref<!tpu.dma_semaphore, #tpu.memory_space<semaphore_mem>>) src(%dma_wait3A_168 : memref<32xi32, #tpu.memory_space<hbm>>) dst(%dma_wait3A_167 : memref<32xi32, #tpu.memory_space<vmem>>)
    %dma_start3A_169 = arith.constant 224 : i32
    %dma_start3A_170 = arith.constant 0 : i32
    %dma_start3A_171 = tpu.memref_slice %arg6[%dma_start3A_169, %dma_start3A_170] : memref<256x128xf32, #tpu.memory_space<vmem>> -> memref<32x128xf32, #tpu.memory_space<vmem>>
    %dma_start3A_172 = arith.constant 224 : i32
    %dma_start3A_173 = tpu.memref_slice %arg5[%dma_start3A_172] : memref<256xi32, #tpu.memory_space<vmem>> -> memref<32xi32, #tpu.memory_space<vmem>>
    %dma_start3A_174 = arith.constant 0 : i32
    %dma_start3A_175 = arith.constant 0 : i32
    %dma_start3A_176 = tpu.memref_slice %arg3[%dma_start3A_174, %dma_start3A_175] : memref<100000x128xf32, #tpu.memory_space<hbm>> -> memref<100000x128xf32, #tpu.memory_space<hbm>>
    tpu.enqueue_indirect_dma source(%dma_start3A_176 : memref<100000x128xf32, #tpu.memory_space<hbm>>) target(%dma_start3A_171 : memref<32x128xf32, #tpu.memory_space<vmem>>) offsets(%dma_start3A_173 : memref<32xi32, #tpu.memory_space<vmem>>) semaphore(%arg15 : memref<!tpu.dma_semaphore, #tpu.memory_space<semaphore_mem>>)
    %dma_wait3A_177 = arith.constant 0 : i32
    %dma_wait3A_178 = arith.constant 0 : i32
    %dma_wait3A_179 = tpu.memref_slice %arg6[%dma_wait3A_177, %dma_wait3A_178] : memref<256x128xf32, #tpu.memory_space<vmem>> -> memref<32x128xf32, #tpu.memory_space<vmem>>
    %dma_wait3A_180 = arith.constant 0 : i32
    %dma_wait3A_181 = tpu.memref_slice %arg5[%dma_wait3A_180] : memref<256xi32, #tpu.memory_space<vmem>> -> memref<32xi32, #tpu.memory_space<vmem>>
    %dma_wait3A_182 = arith.constant 0 : i32
    %dma_wait3A_183 = arith.constant 0 : i32
    %dma_wait3A_184 = tpu.memref_slice %arg3[%dma_wait3A_182, %dma_wait3A_183] : memref<100000x128xf32, #tpu.memory_space<hbm>> -> memref<100000x128xf32, #tpu.memory_space<hbm>>
    tpu.wait_indirect_dma semaphore(%arg8 : memref<!tpu.dma_semaphore, #tpu.memory_space<semaphore_mem>>) src(%dma_wait3A_184 : memref<100000x128xf32, #tpu.memory_space<hbm>>) dst(%dma_wait3A_179 : memref<32x128xf32, #tpu.memory_space<vmem>>)
    %add3A_185 = arith.constant 0 : i32
    %add3A_186 = arith.addi %mul3A_2, %add3A_185 : i32
    %dma_start3A_187 = arith.constant 0 : i32
    %dma_start3A_188 = arith.constant 0 : i32
    %dma_start3A_189 = tpu.memref_slice %arg6[%dma_start3A_187, %dma_start3A_188] : memref<256x128xf32, #tpu.memory_space<vmem>> -> memref<32x128xf32, #tpu.memory_space<vmem>>
    %dma_start3A_190 = arith.constant 0 : i32
    %dma_start3A_191 = tpu.memref_slice %arg4[%add3A_186, %dma_start3A_190] : memref<4096x128xf32, #tpu.memory_space<hbm>> -> memref<32x128xf32, #tpu.memory_space<hbm>>
    %dma_start3A_192 = arith.constant 0 : i32
    %dma_start3A_193 = tpu.memref_slice %arg4[%add3A_186, %dma_start3A_192] : memref<4096x128xf32, #tpu.memory_space<hbm>> -> memref<32x128xf32, #tpu.memory_space<hbm>>
    %dma_start3A_194 = arith.constant 0 : i32
    %dma_start3A_195 = arith.constant 0 : i32
    %dma_start3A_196 = tpu.memref_slice %arg6[%dma_start3A_194, %dma_start3A_195] : memref<256x128xf32, #tpu.memory_space<vmem>> -> memref<32x128xf32, #tpu.memory_space<vmem>>
    tpu.enqueue_dma source(%dma_start3A_196 : memref<32x128xf32, #tpu.memory_space<vmem>>) target(%dma_start3A_193 : memref<32x128xf32, #tpu.memory_space<hbm>>) target_semaphore(%arg16 : memref<!tpu.dma_semaphore, #tpu.memory_space<semaphore_mem>>)
    %dma_wait3A_197 = arith.constant 32 : i32
    %dma_wait3A_198 = arith.constant 0 : i32
    %dma_wait3A_199 = tpu.memref_slice %arg6[%dma_wait3A_197, %dma_wait3A_198] : memref<256x128xf32, #tpu.memory_space<vmem>> -> memref<32x128xf32, #tpu.memory_space<vmem>>
    %dma_wait3A_200 = arith.constant 32 : i32
    %dma_wait3A_201 = tpu.memref_slice %arg5[%dma_wait3A_200] : memref<256xi32, #tpu.memory_space<vmem>> -> memref<32xi32, #tpu.memory_space<vmem>>
    %dma_wait3A_202 = arith.constant 0 : i32
    %dma_wait3A_203 = arith.constant 0 : i32
    %dma_wait3A_204 = tpu.memref_slice %arg3[%dma_wait3A_202, %dma_wait3A_203] : memref<100000x128xf32, #tpu.memory_space<hbm>> -> memref<100000x128xf32, #tpu.memory_space<hbm>>
    tpu.wait_indirect_dma semaphore(%arg9 : memref<!tpu.dma_semaphore, #tpu.memory_space<semaphore_mem>>) src(%dma_wait3A_204 : memref<100000x128xf32, #tpu.memory_space<hbm>>) dst(%dma_wait3A_199 : memref<32x128xf32, #tpu.memory_space<vmem>>)
    %add3A_205 = arith.constant 32 : i32
    %add3A_206 = arith.addi %mul3A_2, %add3A_205 : i32
    %dma_start3A_207 = arith.constant 32 : i32
    %dma_start3A_208 = arith.constant 0 : i32
    %dma_start3A_209 = tpu.memref_slice %arg6[%dma_start3A_207, %dma_start3A_208] : memref<256x128xf32, #tpu.memory_space<vmem>> -> memref<32x128xf32, #tpu.memory_space<vmem>>
    %dma_start3A_210 = arith.constant 0 : i32
    %dma_start3A_211 = tpu.memref_slice %arg4[%add3A_206, %dma_start3A_210] : memref<4096x128xf32, #tpu.memory_space<hbm>> -> memref<32x128xf32, #tpu.memory_space<hbm>>
    %dma_start3A_212 = arith.constant 0 : i32
    %dma_start3A_213 = tpu.memref_slice %arg4[%add3A_206, %dma_start3A_212] : memref<4096x128xf32, #tpu.memory_space<hbm>> -> memref<32x128xf32, #tpu.memory_space<hbm>>
    %dma_start3A_214 = arith.constant 32 : i32
    %dma_start3A_215 = arith.constant 0 : i32
    %dma_start3A_216 = tpu.memref_slice %arg6[%dma_start3A_214, %dma_start3A_215] : memref<256x128xf32, #tpu.memory_space<vmem>> -> memref<32x128xf32, #tpu.memory_space<vmem>>
    tpu.enqueue_dma source(%dma_start3A_216 : memref<32x128xf32, #tpu.memory_space<vmem>>) target(%dma_start3A_213 : memref<32x128xf32, #tpu.memory_space<hbm>>) target_semaphore(%arg16 : memref<!tpu.dma_semaphore, #tpu.memory_space<semaphore_mem>>)
    %dma_wait3A_217 = arith.constant 64 : i32
    %dma_wait3A_218 = arith.constant 0 : i32
    %dma_wait3A_219 = tpu.memref_slice %arg6[%dma_wait3A_217, %dma_wait3A_218] : memref<256x128xf32, #tpu.memory_space<vmem>> -> memref<32x128xf32, #tpu.memory_space<vmem>>
    %dma_wait3A_220 = arith.constant 64 : i32
    %dma_wait3A_221 = tpu.memref_slice %arg5[%dma_wait3A_220] : memref<256xi32, #tpu.memory_space<vmem>> -> memref<32xi32, #tpu.memory_space<vmem>>
    %dma_wait3A_222 = arith.constant 0 : i32
    %dma_wait3A_223 = arith.constant 0 : i32
    %dma_wait3A_224 = tpu.memref_slice %arg3[%dma_wait3A_222, %dma_wait3A_223] : memref<100000x128xf32, #tpu.memory_space<hbm>> -> memref<100000x128xf32, #tpu.memory_space<hbm>>
    tpu.wait_indirect_dma semaphore(%arg10 : memref<!tpu.dma_semaphore, #tpu.memory_space<semaphore_mem>>) src(%dma_wait3A_224 : memref<100000x128xf32, #tpu.memory_space<hbm>>) dst(%dma_wait3A_219 : memref<32x128xf32, #tpu.memory_space<vmem>>)
    %add3A_225 = arith.constant 64 : i32
    %add3A_226 = arith.addi %mul3A_2, %add3A_225 : i32
    %dma_start3A_227 = arith.constant 64 : i32
    %dma_start3A_228 = arith.constant 0 : i32
    %dma_start3A_229 = tpu.memref_slice %arg6[%dma_start3A_227, %dma_start3A_228] : memref<256x128xf32, #tpu.memory_space<vmem>> -> memref<32x128xf32, #tpu.memory_space<vmem>>
    %dma_start3A_230 = arith.constant 0 : i32
    %dma_start3A_231 = tpu.memref_slice %arg4[%add3A_226, %dma_start3A_230] : memref<4096x128xf32, #tpu.memory_space<hbm>> -> memref<32x128xf32, #tpu.memory_space<hbm>>
    %dma_start3A_232 = arith.constant 0 : i32
    %dma_start3A_233 = tpu.memref_slice %arg4[%add3A_226, %dma_start3A_232] : memref<4096x128xf32, #tpu.memory_space<hbm>> -> memref<32x128xf32, #tpu.memory_space<hbm>>
    %dma_start3A_234 = arith.constant 64 : i32
    %dma_start3A_235 = arith.constant 0 : i32
    %dma_start3A_236 = tpu.memref_slice %arg6[%dma_start3A_234, %dma_start3A_235] : memref<256x128xf32, #tpu.memory_space<vmem>> -> memref<32x128xf32, #tpu.memory_space<vmem>>
    tpu.enqueue_dma source(%dma_start3A_236 : memref<32x128xf32, #tpu.memory_space<vmem>>) target(%dma_start3A_233 : memref<32x128xf32, #tpu.memory_space<hbm>>) target_semaphore(%arg16 : memref<!tpu.dma_semaphore, #tpu.memory_space<semaphore_mem>>)
    %dma_wait3A_237 = arith.constant 96 : i32
    %dma_wait3A_238 = arith.constant 0 : i32
    %dma_wait3A_239 = tpu.memref_slice %arg6[%dma_wait3A_237, %dma_wait3A_238] : memref<256x128xf32, #tpu.memory_space<vmem>> -> memref<32x128xf32, #tpu.memory_space<vmem>>
    %dma_wait3A_240 = arith.constant 96 : i32
    %dma_wait3A_241 = tpu.memref_slice %arg5[%dma_wait3A_240] : memref<256xi32, #tpu.memory_space<vmem>> -> memref<32xi32, #tpu.memory_space<vmem>>
    %dma_wait3A_242 = arith.constant 0 : i32
    %dma_wait3A_243 = arith.constant 0 : i32
    %dma_wait3A_244 = tpu.memref_slice %arg3[%dma_wait3A_242, %dma_wait3A_243] : memref<100000x128xf32, #tpu.memory_space<hbm>> -> memref<100000x128xf32, #tpu.memory_space<hbm>>
    tpu.wait_indirect_dma semaphore(%arg11 : memref<!tpu.dma_semaphore, #tpu.memory_space<semaphore_mem>>) src(%dma_wait3A_244 : memref<100000x128xf32, #tpu.memory_space<hbm>>) dst(%dma_wait3A_239 : memref<32x128xf32, #tpu.memory_space<vmem>>)
    %add3A_245 = arith.constant 96 : i32
    %add3A_246 = arith.addi %mul3A_2, %add3A_245 : i32
    %dma_start3A_247 = arith.constant 96 : i32
    %dma_start3A_248 = arith.constant 0 : i32
    %dma_start3A_249 = tpu.memref_slice %arg6[%dma_start3A_247, %dma_start3A_248] : memref<256x128xf32, #tpu.memory_space<vmem>> -> memref<32x128xf32, #tpu.memory_space<vmem>>
    %dma_start3A_250 = arith.constant 0 : i32
    %dma_start3A_251 = tpu.memref_slice %arg4[%add3A_246, %dma_start3A_250] : memref<4096x128xf32, #tpu.memory_space<hbm>> -> memref<32x128xf32, #tpu.memory_space<hbm>>
    %dma_start3A_252 = arith.constant 0 : i32
    %dma_start3A_253 = tpu.memref_slice %arg4[%add3A_246, %dma_start3A_252] : memref<4096x128xf32, #tpu.memory_space<hbm>> -> memref<32x128xf32, #tpu.memory_space<hbm>>
    %dma_start3A_254 = arith.constant 96 : i32
    %dma_start3A_255 = arith.constant 0 : i32
    %dma_start3A_256 = tpu.memref_slice %arg6[%dma_start3A_254, %dma_start3A_255] : memref<256x128xf32, #tpu.memory_space<vmem>> -> memref<32x128xf32, #tpu.memory_space<vmem>>
    tpu.enqueue_dma source(%dma_start3A_256 : memref<32x128xf32, #tpu.memory_space<vmem>>) target(%dma_start3A_253 : memref<32x128xf32, #tpu.memory_space<hbm>>) target_semaphore(%arg16 : memref<!tpu.dma_semaphore, #tpu.memory_space<semaphore_mem>>)
    %dma_wait3A_257 = arith.constant 128 : i32
    %dma_wait3A_258 = arith.constant 0 : i32
    %dma_wait3A_259 = tpu.memref_slice %arg6[%dma_wait3A_257, %dma_wait3A_258] : memref<256x128xf32, #tpu.memory_space<vmem>> -> memref<32x128xf32, #tpu.memory_space<vmem>>
    %dma_wait3A_260 = arith.constant 128 : i32
    %dma_wait3A_261 = tpu.memref_slice %arg5[%dma_wait3A_260] : memref<256xi32, #tpu.memory_space<vmem>> -> memref<32xi32, #tpu.memory_space<vmem>>
    %dma_wait3A_262 = arith.constant 0 : i32
    %dma_wait3A_263 = arith.constant 0 : i32
    %dma_wait3A_264 = tpu.memref_slice %arg3[%dma_wait3A_262, %dma_wait3A_263] : memref<100000x128xf32, #tpu.memory_space<hbm>> -> memref<100000x128xf32, #tpu.memory_space<hbm>>
    tpu.wait_indirect_dma semaphore(%arg12 : memref<!tpu.dma_semaphore, #tpu.memory_space<semaphore_mem>>) src(%dma_wait3A_264 : memref<100000x128xf32, #tpu.memory_space<hbm>>) dst(%dma_wait3A_259 : memref<32x128xf32, #tpu.memory_space<vmem>>)
    %add3A_265 = arith.constant 128 : i32
    %add3A_266 = arith.addi %mul3A_2, %add3A_265 : i32
    %dma_start3A_267 = arith.constant 128 : i32
    %dma_start3A_268 = arith.constant 0 : i32
    %dma_start3A_269 = tpu.memref_slice %arg6[%dma_start3A_267, %dma_start3A_268] : memref<256x128xf32, #tpu.memory_space<vmem>> -> memref<32x128xf32, #tpu.memory_space<vmem>>
    %dma_start3A_270 = arith.constant 0 : i32
    %dma_start3A_271 = tpu.memref_slice %arg4[%add3A_266, %dma_start3A_270] : memref<4096x128xf32, #tpu.memory_space<hbm>> -> memref<32x128xf32, #tpu.memory_space<hbm>>
    %dma_start3A_272 = arith.constant 0 : i32
    %dma_start3A_273 = tpu.memref_slice %arg4[%add3A_266, %dma_start3A_272] : memref<4096x128xf32, #tpu.memory_space<hbm>> -> memref<32x128xf32, #tpu.memory_space<hbm>>
    %dma_start3A_274 = arith.constant 128 : i32
    %dma_start3A_275 = arith.constant 0 : i32
    %dma_start3A_276 = tpu.memref_slice %arg6[%dma_start3A_274, %dma_start3A_275] : memref<256x128xf32, #tpu.memory_space<vmem>> -> memref<32x128xf32, #tpu.memory_space<vmem>>
    tpu.enqueue_dma source(%dma_start3A_276 : memref<32x128xf32, #tpu.memory_space<vmem>>) target(%dma_start3A_273 : memref<32x128xf32, #tpu.memory_space<hbm>>) target_semaphore(%arg16 : memref<!tpu.dma_semaphore, #tpu.memory_space<semaphore_mem>>)
    %dma_wait3A_277 = arith.constant 160 : i32
    %dma_wait3A_278 = arith.constant 0 : i32
    %dma_wait3A_279 = tpu.memref_slice %arg6[%dma_wait3A_277, %dma_wait3A_278] : memref<256x128xf32, #tpu.memory_space<vmem>> -> memref<32x128xf32, #tpu.memory_space<vmem>>
    %dma_wait3A_280 = arith.constant 160 : i32
    %dma_wait3A_281 = tpu.memref_slice %arg5[%dma_wait3A_280] : memref<256xi32, #tpu.memory_space<vmem>> -> memref<32xi32, #tpu.memory_space<vmem>>
    %dma_wait3A_282 = arith.constant 0 : i32
    %dma_wait3A_283 = arith.constant 0 : i32
    %dma_wait3A_284 = tpu.memref_slice %arg3[%dma_wait3A_282, %dma_wait3A_283] : memref<100000x128xf32, #tpu.memory_space<hbm>> -> memref<100000x128xf32, #tpu.memory_space<hbm>>
    tpu.wait_indirect_dma semaphore(%arg13 : memref<!tpu.dma_semaphore, #tpu.memory_space<semaphore_mem>>) src(%dma_wait3A_284 : memref<100000x128xf32, #tpu.memory_space<hbm>>) dst(%dma_wait3A_279 : memref<32x128xf32, #tpu.memory_space<vmem>>)
    %add3A_285 = arith.constant 160 : i32
    %add3A_286 = arith.addi %mul3A_2, %add3A_285 : i32
    %dma_start3A_287 = arith.constant 160 : i32
    %dma_start3A_288 = arith.constant 0 : i32
    %dma_start3A_289 = tpu.memref_slice %arg6[%dma_start3A_287, %dma_start3A_288] : memref<256x128xf32, #tpu.memory_space<vmem>> -> memref<32x128xf32, #tpu.memory_space<vmem>>
    %dma_start3A_290 = arith.constant 0 : i32
    %dma_start3A_291 = tpu.memref_slice %arg4[%add3A_286, %dma_start3A_290] : memref<4096x128xf32, #tpu.memory_space<hbm>> -> memref<32x128xf32, #tpu.memory_space<hbm>>
    %dma_start3A_292 = arith.constant 0 : i32
    %dma_start3A_293 = tpu.memref_slice %arg4[%add3A_286, %dma_start3A_292] : memref<4096x128xf32, #tpu.memory_space<hbm>> -> memref<32x128xf32, #tpu.memory_space<hbm>>
    %dma_start3A_294 = arith.constant 160 : i32
    %dma_start3A_295 = arith.constant 0 : i32
    %dma_start3A_296 = tpu.memref_slice %arg6[%dma_start3A_294, %dma_start3A_295] : memref<256x128xf32, #tpu.memory_space<vmem>> -> memref<32x128xf32, #tpu.memory_space<vmem>>
    tpu.enqueue_dma source(%dma_start3A_296 : memref<32x128xf32, #tpu.memory_space<vmem>>) target(%dma_start3A_293 : memref<32x128xf32, #tpu.memory_space<hbm>>) target_semaphore(%arg16 : memref<!tpu.dma_semaphore, #tpu.memory_space<semaphore_mem>>)
    %dma_wait3A_297 = arith.constant 192 : i32
    %dma_wait3A_298 = arith.constant 0 : i32
    %dma_wait3A_299 = tpu.memref_slice %arg6[%dma_wait3A_297, %dma_wait3A_298] : memref<256x128xf32, #tpu.memory_space<vmem>> -> memref<32x128xf32, #tpu.memory_space<vmem>>
    %dma_wait3A_300 = arith.constant 192 : i32
    %dma_wait3A_301 = tpu.memref_slice %arg5[%dma_wait3A_300] : memref<256xi32, #tpu.memory_space<vmem>> -> memref<32xi32, #tpu.memory_space<vmem>>
    %dma_wait3A_302 = arith.constant 0 : i32
    %dma_wait3A_303 = arith.constant 0 : i32
    %dma_wait3A_304 = tpu.memref_slice %arg3[%dma_wait3A_302, %dma_wait3A_303] : memref<100000x128xf32, #tpu.memory_space<hbm>> -> memref<100000x128xf32, #tpu.memory_space<hbm>>
    tpu.wait_indirect_dma semaphore(%arg14 : memref<!tpu.dma_semaphore, #tpu.memory_space<semaphore_mem>>) src(%dma_wait3A_304 : memref<100000x128xf32, #tpu.memory_space<hbm>>) dst(%dma_wait3A_299 : memref<32x128xf32, #tpu.memory_space<vmem>>)
    %add3A_305 = arith.constant 192 : i32
    %add3A_306 = arith.addi %mul3A_2, %add3A_305 : i32
    %dma_start3A_307 = arith.constant 192 : i32
    %dma_start3A_308 = arith.constant 0 : i32
    %dma_start3A_309 = tpu.memref_slice %arg6[%dma_start3A_307, %dma_start3A_308] : memref<256x128xf32, #tpu.memory_space<vmem>> -> memref<32x128xf32, #tpu.memory_space<vmem>>
    %dma_start3A_310 = arith.constant 0 : i32
    %dma_start3A_311 = tpu.memref_slice %arg4[%add3A_306, %dma_start3A_310] : memref<4096x128xf32, #tpu.memory_space<hbm>> -> memref<32x128xf32, #tpu.memory_space<hbm>>
    %dma_start3A_312 = arith.constant 0 : i32
    %dma_start3A_313 = tpu.memref_slice %arg4[%add3A_306, %dma_start3A_312] : memref<4096x128xf32, #tpu.memory_space<hbm>> -> memref<32x128xf32, #tpu.memory_space<hbm>>
    %dma_start3A_314 = arith.constant 192 : i32
    %dma_start3A_315 = arith.constant 0 : i32
    %dma_start3A_316 = tpu.memref_slice %arg6[%dma_start3A_314, %dma_start3A_315] : memref<256x128xf32, #tpu.memory_space<vmem>> -> memref<32x128xf32, #tpu.memory_space<vmem>>
    tpu.enqueue_dma source(%dma_start3A_316 : memref<32x128xf32, #tpu.memory_space<vmem>>) target(%dma_start3A_313 : memref<32x128xf32, #tpu.memory_space<hbm>>) target_semaphore(%arg16 : memref<!tpu.dma_semaphore, #tpu.memory_space<semaphore_mem>>)
    %dma_wait3A_317 = arith.constant 224 : i32
    %dma_wait3A_318 = arith.constant 0 : i32
    %dma_wait3A_319 = tpu.memref_slice %arg6[%dma_wait3A_317, %dma_wait3A_318] : memref<256x128xf32, #tpu.memory_space<vmem>> -> memref<32x128xf32, #tpu.memory_space<vmem>>
    %dma_wait3A_320 = arith.constant 224 : i32
    %dma_wait3A_321 = tpu.memref_slice %arg5[%dma_wait3A_320] : memref<256xi32, #tpu.memory_space<vmem>> -> memref<32xi32, #tpu.memory_space<vmem>>
    %dma_wait3A_322 = arith.constant 0 : i32
    %dma_wait3A_323 = arith.constant 0 : i32
    %dma_wait3A_324 = tpu.memref_slice %arg3[%dma_wait3A_322, %dma_wait3A_323] : memref<100000x128xf32, #tpu.memory_space<hbm>> -> memref<100000x128xf32, #tpu.memory_space<hbm>>
    tpu.wait_indirect_dma semaphore(%arg15 : memref<!tpu.dma_semaphore, #tpu.memory_space<semaphore_mem>>) src(%dma_wait3A_324 : memref<100000x128xf32, #tpu.memory_space<hbm>>) dst(%dma_wait3A_319 : memref<32x128xf32, #tpu.memory_space<vmem>>)
    %add3A_325 = arith.constant 224 : i32
    %add3A_326 = arith.addi %mul3A_2, %add3A_325 : i32
    %dma_start3A_327 = arith.constant 224 : i32
    %dma_start3A_328 = arith.constant 0 : i32
    %dma_start3A_329 = tpu.memref_slice %arg6[%dma_start3A_327, %dma_start3A_328] : memref<256x128xf32, #tpu.memory_space<vmem>> -> memref<32x128xf32, #tpu.memory_space<vmem>>
    %dma_start3A_330 = arith.constant 0 : i32
    %dma_start3A_331 = tpu.memref_slice %arg4[%add3A_326, %dma_start3A_330] : memref<4096x128xf32, #tpu.memory_space<hbm>> -> memref<32x128xf32, #tpu.memory_space<hbm>>
    %dma_start3A_332 = arith.constant 0 : i32
    %dma_start3A_333 = tpu.memref_slice %arg4[%add3A_326, %dma_start3A_332] : memref<4096x128xf32, #tpu.memory_space<hbm>> -> memref<32x128xf32, #tpu.memory_space<hbm>>
    %dma_start3A_334 = arith.constant 224 : i32
    %dma_start3A_335 = arith.constant 0 : i32
    %dma_start3A_336 = tpu.memref_slice %arg6[%dma_start3A_334, %dma_start3A_335] : memref<256x128xf32, #tpu.memory_space<vmem>> -> memref<32x128xf32, #tpu.memory_space<vmem>>
    tpu.enqueue_dma source(%dma_start3A_336 : memref<32x128xf32, #tpu.memory_space<vmem>>) target(%dma_start3A_333 : memref<32x128xf32, #tpu.memory_space<hbm>>) target_semaphore(%arg16 : memref<!tpu.dma_semaphore, #tpu.memory_space<semaphore_mem>>)
    %dma_wait3A_337 = arith.constant 0 : i32
    %dma_wait3A_338 = arith.constant 0 : i32
    %dma_wait3A_339 = tpu.memref_slice %arg6[%dma_wait3A_337, %dma_wait3A_338] : memref<256x128xf32, #tpu.memory_space<vmem>> -> memref<32x128xf32, #tpu.memory_space<vmem>>
    %dma_wait3A_340 = arith.constant 0 : i32
    %dma_wait3A_341 = tpu.memref_slice %arg4[%add3A_186, %dma_wait3A_340] : memref<4096x128xf32, #tpu.memory_space<hbm>> -> memref<32x128xf32, #tpu.memory_space<hbm>>
    %dma_wait3A_342 = arith.constant 0 : i32
    %dma_wait3A_343 = tpu.memref_slice %arg4[%add3A_186, %dma_wait3A_342] : memref<4096x128xf32, #tpu.memory_space<hbm>> -> memref<32x128xf32, #tpu.memory_space<hbm>>
    %dma_wait3A_344 = arith.constant 0 : i32
    %dma_wait3A_345 = arith.constant 0 : i32
    %dma_wait3A_346 = tpu.memref_slice %arg6[%dma_wait3A_344, %dma_wait3A_345] : memref<256x128xf32, #tpu.memory_space<vmem>> -> memref<32x128xf32, #tpu.memory_space<vmem>>
    tpu.wait_dma2 semaphore(%arg16 : memref<!tpu.dma_semaphore, #tpu.memory_space<semaphore_mem>>) src(%dma_wait3A_346 : memref<32x128xf32, #tpu.memory_space<vmem>>) dst(%dma_wait3A_343 : memref<32x128xf32, #tpu.memory_space<hbm>>)
    %dma_wait3A_347 = arith.constant 32 : i32
    %dma_wait3A_348 = arith.constant 0 : i32
    %dma_wait3A_349 = tpu.memref_slice %arg6[%dma_wait3A_347, %dma_wait3A_348] : memref<256x128xf32, #tpu.memory_space<vmem>> -> memref<32x128xf32, #tpu.memory_space<vmem>>
    %dma_wait3A_350 = arith.constant 0 : i32
    %dma_wait3A_351 = tpu.memref_slice %arg4[%add3A_206, %dma_wait3A_350] : memref<4096x128xf32, #tpu.memory_space<hbm>> -> memref<32x128xf32, #tpu.memory_space<hbm>>
    %dma_wait3A_352 = arith.constant 0 : i32
    %dma_wait3A_353 = tpu.memref_slice %arg4[%add3A_206, %dma_wait3A_352] : memref<4096x128xf32, #tpu.memory_space<hbm>> -> memref<32x128xf32, #tpu.memory_space<hbm>>
    %dma_wait3A_354 = arith.constant 32 : i32
    %dma_wait3A_355 = arith.constant 0 : i32
    %dma_wait3A_356 = tpu.memref_slice %arg6[%dma_wait3A_354, %dma_wait3A_355] : memref<256x128xf32, #tpu.memory_space<vmem>> -> memref<32x128xf32, #tpu.memory_space<vmem>>
    tpu.wait_dma2 semaphore(%arg16 : memref<!tpu.dma_semaphore, #tpu.memory_space<semaphore_mem>>) src(%dma_wait3A_356 : memref<32x128xf32, #tpu.memory_space<vmem>>) dst(%dma_wait3A_353 : memref<32x128xf32, #tpu.memory_space<hbm>>)
    %dma_wait3A_357 = arith.constant 64 : i32
    %dma_wait3A_358 = arith.constant 0 : i32
    %dma_wait3A_359 = tpu.memref_slice %arg6[%dma_wait3A_357, %dma_wait3A_358] : memref<256x128xf32, #tpu.memory_space<vmem>> -> memref<32x128xf32, #tpu.memory_space<vmem>>
    %dma_wait3A_360 = arith.constant 0 : i32
    %dma_wait3A_361 = tpu.memref_slice %arg4[%add3A_226, %dma_wait3A_360] : memref<4096x128xf32, #tpu.memory_space<hbm>> -> memref<32x128xf32, #tpu.memory_space<hbm>>
    %dma_wait3A_362 = arith.constant 0 : i32
    %dma_wait3A_363 = tpu.memref_slice %arg4[%add3A_226, %dma_wait3A_362] : memref<4096x128xf32, #tpu.memory_space<hbm>> -> memref<32x128xf32, #tpu.memory_space<hbm>>
    %dma_wait3A_364 = arith.constant 64 : i32
    %dma_wait3A_365 = arith.constant 0 : i32
    %dma_wait3A_366 = tpu.memref_slice %arg6[%dma_wait3A_364, %dma_wait3A_365] : memref<256x128xf32, #tpu.memory_space<vmem>> -> memref<32x128xf32, #tpu.memory_space<vmem>>
    tpu.wait_dma2 semaphore(%arg16 : memref<!tpu.dma_semaphore, #tpu.memory_space<semaphore_mem>>) src(%dma_wait3A_366 : memref<32x128xf32, #tpu.memory_space<vmem>>) dst(%dma_wait3A_363 : memref<32x128xf32, #tpu.memory_space<hbm>>)
    %dma_wait3A_367 = arith.constant 96 : i32
    %dma_wait3A_368 = arith.constant 0 : i32
    %dma_wait3A_369 = tpu.memref_slice %arg6[%dma_wait3A_367, %dma_wait3A_368] : memref<256x128xf32, #tpu.memory_space<vmem>> -> memref<32x128xf32, #tpu.memory_space<vmem>>
    %dma_wait3A_370 = arith.constant 0 : i32
    %dma_wait3A_371 = tpu.memref_slice %arg4[%add3A_246, %dma_wait3A_370] : memref<4096x128xf32, #tpu.memory_space<hbm>> -> memref<32x128xf32, #tpu.memory_space<hbm>>
    %dma_wait3A_372 = arith.constant 0 : i32
    %dma_wait3A_373 = tpu.memref_slice %arg4[%add3A_246, %dma_wait3A_372] : memref<4096x128xf32, #tpu.memory_space<hbm>> -> memref<32x128xf32, #tpu.memory_space<hbm>>
    %dma_wait3A_374 = arith.constant 96 : i32
    %dma_wait3A_375 = arith.constant 0 : i32
    %dma_wait3A_376 = tpu.memref_slice %arg6[%dma_wait3A_374, %dma_wait3A_375] : memref<256x128xf32, #tpu.memory_space<vmem>> -> memref<32x128xf32, #tpu.memory_space<vmem>>
    tpu.wait_dma2 semaphore(%arg16 : memref<!tpu.dma_semaphore, #tpu.memory_space<semaphore_mem>>) src(%dma_wait3A_376 : memref<32x128xf32, #tpu.memory_space<vmem>>) dst(%dma_wait3A_373 : memref<32x128xf32, #tpu.memory_space<hbm>>)
    %dma_wait3A_377 = arith.constant 128 : i32
    %dma_wait3A_378 = arith.constant 0 : i32
    %dma_wait3A_379 = tpu.memref_slice %arg6[%dma_wait3A_377, %dma_wait3A_378] : memref<256x128xf32, #tpu.memory_space<vmem>> -> memref<32x128xf32, #tpu.memory_space<vmem>>
    %dma_wait3A_380 = arith.constant 0 : i32
    %dma_wait3A_381 = tpu.memref_slice %arg4[%add3A_266, %dma_wait3A_380] : memref<4096x128xf32, #tpu.memory_space<hbm>> -> memref<32x128xf32, #tpu.memory_space<hbm>>
    %dma_wait3A_382 = arith.constant 0 : i32
    %dma_wait3A_383 = tpu.memref_slice %arg4[%add3A_266, %dma_wait3A_382] : memref<4096x128xf32, #tpu.memory_space<hbm>> -> memref<32x128xf32, #tpu.memory_space<hbm>>
    %dma_wait3A_384 = arith.constant 128 : i32
    %dma_wait3A_385 = arith.constant 0 : i32
    %dma_wait3A_386 = tpu.memref_slice %arg6[%dma_wait3A_384, %dma_wait3A_385] : memref<256x128xf32, #tpu.memory_space<vmem>> -> memref<32x128xf32, #tpu.memory_space<vmem>>
    tpu.wait_dma2 semaphore(%arg16 : memref<!tpu.dma_semaphore, #tpu.memory_space<semaphore_mem>>) src(%dma_wait3A_386 : memref<32x128xf32, #tpu.memory_space<vmem>>) dst(%dma_wait3A_383 : memref<32x128xf32, #tpu.memory_space<hbm>>)
    %dma_wait3A_387 = arith.constant 160 : i32
    %dma_wait3A_388 = arith.constant 0 : i32
    %dma_wait3A_389 = tpu.memref_slice %arg6[%dma_wait3A_387, %dma_wait3A_388] : memref<256x128xf32, #tpu.memory_space<vmem>> -> memref<32x128xf32, #tpu.memory_space<vmem>>
    %dma_wait3A_390 = arith.constant 0 : i32
    %dma_wait3A_391 = tpu.memref_slice %arg4[%add3A_286, %dma_wait3A_390] : memref<4096x128xf32, #tpu.memory_space<hbm>> -> memref<32x128xf32, #tpu.memory_space<hbm>>
    %dma_wait3A_392 = arith.constant 0 : i32
    %dma_wait3A_393 = tpu.memref_slice %arg4[%add3A_286, %dma_wait3A_392] : memref<4096x128xf32, #tpu.memory_space<hbm>> -> memref<32x128xf32, #tpu.memory_space<hbm>>
    %dma_wait3A_394 = arith.constant 160 : i32
    %dma_wait3A_395 = arith.constant 0 : i32
    %dma_wait3A_396 = tpu.memref_slice %arg6[%dma_wait3A_394, %dma_wait3A_395] : memref<256x128xf32, #tpu.memory_space<vmem>> -> memref<32x128xf32, #tpu.memory_space<vmem>>
    tpu.wait_dma2 semaphore(%arg16 : memref<!tpu.dma_semaphore, #tpu.memory_space<semaphore_mem>>) src(%dma_wait3A_396 : memref<32x128xf32, #tpu.memory_space<vmem>>) dst(%dma_wait3A_393 : memref<32x128xf32, #tpu.memory_space<hbm>>)
    %dma_wait3A_397 = arith.constant 192 : i32
    %dma_wait3A_398 = arith.constant 0 : i32
    %dma_wait3A_399 = tpu.memref_slice %arg6[%dma_wait3A_397, %dma_wait3A_398] : memref<256x128xf32, #tpu.memory_space<vmem>> -> memref<32x128xf32, #tpu.memory_space<vmem>>
    %dma_wait3A_400 = arith.constant 0 : i32
    %dma_wait3A_401 = tpu.memref_slice %arg4[%add3A_306, %dma_wait3A_400] : memref<4096x128xf32, #tpu.memory_space<hbm>> -> memref<32x128xf32, #tpu.memory_space<hbm>>
    %dma_wait3A_402 = arith.constant 0 : i32
    %dma_wait3A_403 = tpu.memref_slice %arg4[%add3A_306, %dma_wait3A_402] : memref<4096x128xf32, #tpu.memory_space<hbm>> -> memref<32x128xf32, #tpu.memory_space<hbm>>
    %dma_wait3A_404 = arith.constant 192 : i32
    %dma_wait3A_405 = arith.constant 0 : i32
    %dma_wait3A_406 = tpu.memref_slice %arg6[%dma_wait3A_404, %dma_wait3A_405] : memref<256x128xf32, #tpu.memory_space<vmem>> -> memref<32x128xf32, #tpu.memory_space<vmem>>
    tpu.wait_dma2 semaphore(%arg16 : memref<!tpu.dma_semaphore, #tpu.memory_space<semaphore_mem>>) src(%dma_wait3A_406 : memref<32x128xf32, #tpu.memory_space<vmem>>) dst(%dma_wait3A_403 : memref<32x128xf32, #tpu.memory_space<hbm>>)
    %dma_wait3A_407 = arith.constant 224 : i32
    %dma_wait3A_408 = arith.constant 0 : i32
    %dma_wait3A_409 = tpu.memref_slice %arg6[%dma_wait3A_407, %dma_wait3A_408] : memref<256x128xf32, #tpu.memory_space<vmem>> -> memref<32x128xf32, #tpu.memory_space<vmem>>
    %dma_wait3A_410 = arith.constant 0 : i32
    %dma_wait3A_411 = tpu.memref_slice %arg4[%add3A_326, %dma_wait3A_410] : memref<4096x128xf32, #tpu.memory_space<hbm>> -> memref<32x128xf32, #tpu.memory_space<hbm>>
    %dma_wait3A_412 = arith.constant 0 : i32
    %dma_wait3A_413 = tpu.memref_slice %arg4[%add3A_326, %dma_wait3A_412] : memref<4096x128xf32, #tpu.memory_space<hbm>> -> memref<32x128xf32, #tpu.memory_space<hbm>>
    %dma_wait3A_414 = arith.constant 224 : i32
    %dma_wait3A_415 = arith.constant 0 : i32
    %dma_wait3A_416 = tpu.memref_slice %arg6[%dma_wait3A_414, %dma_wait3A_415] : memref<256x128xf32, #tpu.memory_space<vmem>> -> memref<32x128xf32, #tpu.memory_space<vmem>>
    tpu.wait_dma2 semaphore(%arg16 : memref<!tpu.dma_semaphore, #tpu.memory_space<semaphore_mem>>) src(%dma_wait3A_416 : memref<32x128xf32, #tpu.memory_space<vmem>>) dst(%dma_wait3A_413 : memref<32x128xf32, #tpu.memory_space<hbm>>)
    return
  }
}

</mosaic_0001>

<sc_bundles>
// kernel: kernel.3.cloned.1.call-start
scs
__scs_entry_jumppad:
0x0: {  	(pc) =	sbr.rel $0x88, $3  }
0x1: {  	(tag) =	ssettag $0x0;
	lr =	simm.s32 $0x1  }
0x2: {  	[smem:$0x3F9F] =	sst lr;
	_ =	strace $0xD0000000  }
0x3: {  	_ = 	snop  }
0x4: {  	_ = 	snop  }
0x5: {  	_ = 	snop  }
0x6: {  	_ = 	snop  }
0x7: {  	_ = 	snop  }
__scs_overlays_trampoline_lowered:
0x8: {  	[smem:$0x3FAE] =	sst s0  }
0x9: {  	[smem:$0x3FAF] =	sst s1  }
0xa: {  	[smem:$0x3FB0] =	sst s2  }
0xb: {  	[smem:$0x3FB1] =	sst s3  }
0xc: {  	[smem:$0x3FB2] =	sst s4  }
0xd: {  	[smem:$0x3FB3] =	sst s5  }
0xe: {  	[smem:$0x3FB4] =	sst s6  }
0xf: {  	[smem:$0x3FB5] =	sst s7  }
0x10: {  	[smem:$0x3FB6] =	sst s8  }
0x11: {  	[smem:$0x3FB7] =	sst s9;
	s0 =	simm.s32 @!p0 $0x0  }
0x12: {  	s1 =	sld [smem:$0x3F9D];
	s0 =	simm.s32 @p0 $0x1  }
0x13: {  	[smem:$0x3FB8] =	sst s0;
	s0 =	simm.s32 @!p1 $0x0  }
0x14: {  	s2 =	sld [smem:$0x3F9C];
	s0 =	simm.s32 @p1 $0x1  }
0x15: {  	[smem:$0x3FB9] =	sst s0;
	s0 =	simm.s32 @!p2 $0x0  }
0x16: {  	s3 =	sld [smem:$0x3FDB];
	s0 =	simm.s32 @p2 $0x1  }
0x17: {  	s4 =	simm.s32 $0x1BF5;
	[smem:$0x3FBB] =	sst s0  }
0x18: {  	s0 =	sld [smem:$0x3F9E];
	_ =	swait.ge [sflag:s4], $0x0  }
0x19: {  	s7 =	sld [smem:$0x3F9F]  }
0x1a: {  	s8 =	sadd.s32 $0xFFFFE003, lr  }
0x1b: {  	s9 =	sadd.s32 $0xFFFFFEF7, lr;
	s5 =	simm.s32 $0xFFFFFFFF;
	p2 =	slt.u32 s8, $0xFFFFF086  }
0x1c: {  	p1 =	slt.u32 s9, $0xF7A;
	s5 =	simm.s32 @!p2 $0x0  }
0x1d: {  	s5 =	simm.s32 @p1 $0x1;
	p0 =	seq.s32 s7, s2  }
0x1e: {  	s7 =	smul.u32 @!p0 $0xF7A, s2;
	p2 =	seq.s32 @!p0 s5, $0x0  }
0x1f: {  	s9 =	smul.u32 $0xF7A, s1;
	s8 =	simm.s32 @!p0 $0x1BF5;
	p2 =	por !p2, p0  }
0x20: {  	[sflag:s8] =	ssyncset.s32 @!p0 $0xFFFFF086;
	s6 =	sadd.s32 @!p0 s3, s7;
	s7 =	simm.s32 @!p0 $0x108  }
0x21: {  	s3 =	sadd.s32 s3, s9;
	s6 =	sadd.s32 @!p0 $0x88, s6;
	s7 =	simm.s32 @p2 $0x1082  }
0x22: {  	[simem:s7], [sflag:s8] =	dma.local @!p0 [hbm:s6], $0xF7A  }
0x23: {  	s9 =	sor.u32 $0xD0000000, s2;
	s6 =	simm.s32 $0x108;
	_ =	swait.ge @!p0 [sflag:s8], $0x0  }
0x24: {  	s3 =	sadd.s32 $0x88, s3;
	s6 =	simm.s32 @!p1 $0x1082;
	[sflag:s4] =	ssyncset.s32 $0xFFFFF086  }
0x25: {  	[simem:s6], [sflag:s4] =	dma.local [hbm:s3], $0xF7A  }
0x26: {  	[smem:$0x3F9F] =	sst s1;
	(tag) =	ssettag s2;
	_ =	strace s9  }
0x27: {  	s1 =	sld [smem:$0x3FAF]  }
0x28: {  	s2 =	sld [smem:$0x3FB0]  }
0x29: {  	s4 =	sld [smem:$0x3FB2]  }
0x2a: {  	p0 =	seq.s32 s5, $0x0;
	s5 =	sld [smem:$0x3FB3]  }
0x2b: {  	s6 =	sld [smem:$0x3FB4]  }
0x2c: {  	s7 =	sld [smem:$0x3FB5]  }
0x2d: {  	s3 =	simm.s32 $0x108;
	s8 =	sld [smem:$0x3FB6]  }
0x2e: {  	s3 =	simm.s32 @!p0 $0x1082;
	s9 =	sld [smem:$0x3FB7]  }
0x2f: {  	lr =	sadd.s32 s0, s3;
	s0 =	sld [smem:$0x3FAE]  }
0x30: {  	s3 =	sld [smem:$0x3FB1]  }
0x31: {  	[smem:$0x3FBA] =	sst s10  }
0x32: {  	s10 =	sld [smem:$0x3FB8];
	_ =	sdelay $0x3  }
0x33: {  	p0 =	seq.s32 s10, $0x1;
	s10 =	sld [smem:$0x3FBA];
	_ =	sdelay $0x3  }
0x34: {  	[smem:$0x3FBA] =	sst s10  }
0x35: {  	s10 =	sld [smem:$0x3FB9];
	_ =	sdelay $0x3  }
0x36: {  	p1 =	seq.s32 s10, $0x1;
	s10 =	sld [smem:$0x3FBA];
	_ =	sdelay $0x3  }
0x37: {  	[smem:$0x3FBA] =	sst s10  }
0x38: {  	s10 =	sld [smem:$0x3FBB]  }
0x39: {  	_ = 	snop;
	(pc) =	sbr.ind lr, $3  }
0x3a: {  	_ = 	snop  }
0x3b: {  	_ = 	snop  }
0x3c: {  	p2 =	seq.s32 s10, $0x1;
	s10 =	sld [smem:$0x3FBA]  }
0x3d: {  	_ =	shalt  }
0x3e: {  	_ =	shalt  }
0x3f: {  	_ =	shalt  }
0x40: {  	_ =	shalt  }
0x41: {  	_ =	shalt  }
0x42: {  	_ =	shalt  }
0x43: {  	_ =	shalt  }
0x44: {  	_ =	shalt  }
0x45: {  	_ =	shalt  }
0x46: {  	_ =	shalt  }
0x47: {  	_ =	shalt  }
0x48: {  	_ =	shalt  }
0x49: {  	_ =	shalt  }
0x4a: {  	_ =	shalt  }
0x4b: {  	_ =	shalt  }
0x4c: {  	_ =	shalt  }
0x4d: {  	_ =	shalt  }
0x4e: {  	_ =	shalt  }
0x4f: {  	_ =	shalt  }
0x50: {  	_ =	shalt  }
0x51: {  	_ =	shalt  }
0x52: {  	_ =	shalt  }
0x53: {  	_ =	shalt  }
0x54: {  	_ =	shalt  }
0x55: {  	_ =	shalt  }
0x56: {  	_ =	shalt  }
0x57: {  	_ =	shalt  }
0x58: {  	_ =	shalt  }
0x59: {  	_ =	shalt  }
0x5a: {  	_ =	shalt  }
0x5b: {  	_ =	shalt  }
0x5c: {  	_ =	shalt  }
0x5d: {  	_ =	shalt  }
0x5e: {  	_ =	shalt  }
0x5f: {  	_ =	shalt  }
0x60: {  	_ =	shalt  }
0x61: {  	_ =	shalt  }
0x62: {  	_ =	shalt  }
0x63: {  	_ =	shalt  }
0x64: {  	_ =	shalt  }
0x65: {  	_ =	shalt  }
0x66: {  	_ =	shalt  }
0x67: {  	_ =	shalt  }
0x68: {  	_ =	shalt  }
0x69: {  	_ =	shalt  }
0x6a: {  	_ =	shalt  }
0x6b: {  	_ =	shalt  }
0x6c: {  	_ =	shalt  }
0x6d: {  	_ =	shalt  }
0x6e: {  	_ =	shalt  }
0x6f: {  	_ =	shalt  }
0x70: {  	_ =	shalt  }
0x71: {  	_ =	shalt  }
0x72: {  	_ =	shalt  }
0x73: {  	_ =	shalt  }
0x74: {  	_ =	shalt  }
0x75: {  	_ =	shalt  }
0x76: {  	_ =	shalt  }
0x77: {  	_ =	shalt  }
0x78: {  	_ =	shalt  }
0x79: {  	_ =	shalt  }
0x7a: {  	_ =	shalt  }
0x7b: {  	_ =	shalt  }
0x7c: {  	_ =	shalt  }
0x7d: {  	_ =	shalt  }
0x7e: {  	_ =	shalt  }
0x7f: {  	_ =	shalt  }
0x80: {  	_ =	shalt  }
0x81: {  	_ =	shalt  }
0x82: {  	_ =	shalt  }
0x83: {  	_ =	shalt  }
0x84: {  	_ =	shalt  }
0x85: {  	_ =	shalt  }
0x86: {  	_ =	shalt  }
0x87: {  	_ =	shalt  }
.Lfunc_end0:
.L_simem_size_0:
called_computation_lowered:
.L_overlay_start_0:
0x88: {  	s0 =	sld [smem:$0x3FD9]  }
0x89: {  	s1 =	sld [smem:$0x3FFE];
	_ =	sdelay $0x3  }
0x8a: {  	s0 =	sadd.s32 s1, s0  }
0x8b: {  	[smem:$0x3FC6] =	sst s0  }
0x8c: {  	_ = 	snop  }
0x8d: {  	s0 =	sld [smem:$0x3FC9]  }
0x8e: {  	s17 =	sld [smem:$0x3FC8]  }
0x8f: {  	s2 =	sld [smem:$0x3FD0];
	(tm) =	ssettm $0x1  }
0x90: {  	s3 =	sld [smem:$0x3FFB];
	_ =	sdelay $0x3  }
0x91: {  	_ =	strace s3  }
0x92: {  	s3 =	sld [smem:$0x3FFC];
	_ =	sdelay $0x3  }
0x93: {  	_ =	strace s3  }
0x94: {  	s3 =	sld [smem:$0x3FFD];
	_ =	sdelay $0x3  }
0x95: {  	_ =	strace s3  }
0x96: {  	_ =	strace $0x8FFFFFFF  }
0x97: {  	s18 =	sld [smem:$0x3FDB];
	_ =	sdelay $0x1  }
0x98: {  	s4 =	simm.s32 $_scs_section_size  }
0x99: {  	s5 =	simm.s32 $_size__tile_overlayer_lowered;
	s6 =	simm.s32 $_tile_overlayer_lowered  }
0x9a: {  	s21 =	simm.s32 $0x1BFF;
	s20 =	sshll.u32 s6, $0x1;
	s3 =	sadd.s32 s4, s18  }
0x9b: {  	s7 =	simm.s32 $0x0;
	s19 =	sshll.u32 s5, $0x1;
	s5 =	sadd.s32 s20, s3  }
0x9c: {  	[timem:s7], [sflag:s21] =	dma.local [hbm:s5], s19  }
0x9d: {  	_ =	swait.ge [sflag:s21], s19  }
0x9e: {  	s4 =	ssub.s32 $0x0, s19;
	[sflag:s21] =	ssyncset.done $0x0  }
0x9f: {  	[sflag:s21] =	ssyncadd.s32 s4;
	_ =	sdelay $0x1  }
0xa0: {  	s22 =	simm.s32 $0x1B8B  }
0xa1: {  	_ =	swait.ge [sflag:s22], $0x1  }
0xa2: {  	[sflag:s22] =	ssyncset.done $0x0  }
0xa3: {  	s23 =	simm.s32 $0x1B8E;
	[sflag:s22] =	ssyncadd.s32 $0xFFFFFFFF  }
0xa4: {  	s24 =	simm.s32 $execute0_lowered;
	[smem:$0x3FD2] =	sst s23  }
0xa5: {  	s4 =	sshll.u32 s24, $0x1;
	_ =	strace $0x80000046;
	[dreg:$0x1] =	wrdreg $0xFFFFFFFF  }
0xa6: {  	s25 =	simm.s32 $_size_execute0_lowered;
	s3 =	sadd.s32 s3, s4;
	[dreg:$0x0] =	wrdreg $0x0  }
0xa7: {  	s4 =	sshll.u32 s25, $0x1;
	[dreg:$0x2] =	wrdreg s3  }
0xa8: {  	[dreg:$0x3] =	wrdreg s4  }
0xa9: {  	[dreg:$0x4] =	wrdreg $0xC0  }
0xaa: {  	_ =	task [dreg:s7], $0x5FFFF  }
0xab: {  	[dreg:$0x1] =	wrdreg $0xFFFFFFFF  }
0xac: {  	[dreg:$0x0] =	wrdreg $0x60  }
0xad: {  	[dreg:$0x2] =	wrdreg s0  }
0xae: {  	[dreg:$0x3] =	wrdreg s17  }
0xaf: {  	[dreg:$0x4] =	wrdreg s2  }
0xb0: {  	[dreg:$0x5] =	wrdreg $0x9  }
0xb1: {  	_ =	task.clear_ibuf [dreg:s7], $0x6FFFF;
	_ =	strace $0x90000046  }
0xb2: {  	s26 =	simm.s32 $0x9;
	_ =	strace $0x80000048  }
0xb3: {  	_ =	swait.ge [sflag:s26], $0x1  }
0xb4: {  	[sflag:s26] =	ssyncadd.s32 $0xFFFFFFFF  }
0xb5: {  	_ =	strace $0x90000048  }
0xb6: {  	_ =	sfence  }
0xb7: {  	s28 =	sld [smem:$0x0];
	_ =	sdelay $0x1  }
0xb8: {  	s29 =	srdreg.scid  }
0xb9: {  	s30 =	sshll.u32 s29, $0xD;
	s31 =	sshrl.u32 s29, $0x2  }
0xba: {  	s1 =	sand.u32 $0x1, s29;
	s2 =	sand.u32 $0x4000, s30;
	s0 =	sadd.s32 s31, s28  }
0xbb: {  	s1 =	sor.u32 s2, s1;
	s0 =	sshll.u32 s0, $0x11  }
0xbc: {  	s0 =	sor.u32 s0, s1  }
0xbd: {  	s0 =	sadd.s32 $0x8F2B, s0  }
0xbe: {  	[sflag:s0] =	ssyncadd.remote.s32 $0x1  }
0xbf: {  	_ =	sfence.sel $0xFFFF  }
0xc0: {  	[dreg:$0x0] =	wrdreg $0xFFFFFFFF;
	(pc) =	sbr.abs _section_cstart, $3  }
0xc1: {  	[dreg:$0x1] =	wrdreg $0xFFFFFFFF  }
0xc2: {  	_ =	task.clear_ibuf [dreg:s7], $0x2FFFF;
	_ =	strace $0x9FFFFFFF  }
0xc3: {  	(tm) =	ssettm $0x7FFFFFFF  }
tec
execute0_lowered:
.L_overlay_start_1:
0x0: {  	(tag) =	ssettag $0x1  }
0x1: {  	s13 =	rddreg [dreg:$0x0]  }
0x2: {  	s10 =	rddreg [dreg:$0x1]  }
0x3: {  	s2 =	rddreg [dreg:$0x2]  }
0x4: {  	s0 =	rddreg [dreg:$0x3]  }
0x5: {  	s3 =	simm.s32 $0x0;
	s1 =	stileid.u32;
	s12 =	simm.s32 $0x20  }
0x6: {  	s16 =	simm.s32 $0x40;
	s17 =	simm.s32 $0x60;
	s18 =	simm.s32 $0x80  }
0x7: {  	[smem:$0x7FF] =	sst s3;
	s4 =	sshll.u32 s1, $0x8;
	s5 =	sshll.u32 s1, $0x5  }
0x8: {  	_ =	strace $0x80000047;
	s5 =	sadd.s32 s13, s5;
	s11 =	sor.u32 $0x20, s4  }
0x9: {  	s9 =	sor.u32 $0x40, s4;
	s8 =	sor.u32 $0x60, s4;
	s6 =	sshrl.u32 s11, $0x3  }
0xa: {  	[tilespmem:s3], [sflag:$0x1] =	stream.linear.gather [hbm4b:s5+s3], $0x20, $0x38;
	[tilespmem:$0x8100] =	vst v63  }
0xb: {  	s7 =	sshrl.u32 s9, $0x3;
	s29 =	sshrl.u32 s8, $0x3;
	s6 =	sadd.s32 s13, s6  }
0xc: {  	[tilespmem:s12], [sflag:$0x1] =	stream.linear.gather [hbm4b:s6+s3], $0x20, $0x38;
	[tilespmem:$0x8100] =	vst v63  }
0xd: {  	s5 =	sor.u32 $0xA0, s4;
	s14 =	sadd.s32 s13, s7;
	s7 =	sor.u32 $0x80, s4  }
0xe: {  	[tilespmem:s16], [sflag:$0x1] =	stream.linear.gather [hbm4b:s14+s3], $0x20, $0x38;
	[tilespmem:$0x8100] =	vst v63  }
0xf: {  	s15 =	sadd.s32 s13, s29;
	s19 =	sshrl.u32 s5, $0x3;
	s30 =	sshrl.u32 s7, $0x3  }
0x10: {  	[tilespmem:s17], [sflag:$0x1] =	stream.linear.gather [hbm4b:s15+s3], $0x20, $0x38;
	[tilespmem:$0x8100] =	vst v63  }
0x11: {  	s20 =	sadd.s32 s13, s19;
	s6 =	sor.u32 $0xC0, s4;
	s31 =	sadd.s32 s13, s30  }
0x12: {  	[tilespmem:s18], [sflag:$0x1] =	stream.linear.gather [hbm4b:s31+s3], $0x20, $0x38;
	[tilespmem:$0x8100] =	vst v63  }
0x13: {  	s4 =	sor.u32 $0xE0, s4;
	s19 =	simm.s32 $0xA0;
	s21 =	sshrl.u32 s6, $0x3  }
0x14: {  	[tilespmem:s19], [sflag:$0x1] =	stream.linear.gather [hbm4b:s20+s3], $0x20, $0x38;
	[tilespmem:$0x8100] =	vst v63  }
0x15: {  	s22 =	sshrl.u32 s4, $0x3;
	s14 =	sadd.s32 s13, s21;
	s20 =	simm.s32 $0xC0  }
0x16: {  	[tilespmem:s20], [sflag:$0x1] =	stream.linear.gather [hbm4b:s14+s3], $0x20, $0x38;
	[tilespmem:$0x8100] =	vst v63  }
0x17: {  	s23 =	simm.s32 $0xE0;
	s24 =	simm.s32 $0x1;
	s13 =	sadd.s32 s13, s22  }
0x18: {  	[tilespmem:s23], [sflag:$0x1] =	stream.linear.gather [hbm4b:s13+s3], $0x20, $0x38;
	[tilespmem:$0x8100] =	vst v63  }
0x19: {  	_ =	swait.ge [sflag:s24], $0x20  }
0x1a: {  	[sflag:s24] =	ssyncset.done $0x0  }
0x1b: {  	s25 =	simm.s32 $0x100;
	[sflag:s24] =	ssyncadd.s32 $0xFFFFFFE0  }
0x1c: {  	[tilespmem:s25], [sflag:$0x2] =	stream.indirect.gather [hbm4b:s10+s12], $0x80, s3, s12, $0xb8;
	[tilespmem:$0x8100] =	vst v63  }
0x1d: {  	_ =	swait.ge [sflag:s24], $0x20  }
0x1e: {  	[sflag:s24] =	ssyncset.done $0x0  }
0x1f: {  	s21 =	simm.s32 $0x1100;
	[sflag:s24] =	ssyncadd.s32 $0xFFFFFFE0  }
0x20: {  	[tilespmem:s21], [sflag:$0x3] =	stream.indirect.gather [hbm4b:s10+s12], $0x80, s12, s12, $0xb8;
	[tilespmem:$0x8100] =	vst v63  }
0x21: {  	_ =	swait.ge [sflag:s24], $0x20  }
0x22: {  	[sflag:s24] =	ssyncset.done $0x0  }
0x23: {  	s22 =	simm.s32 $0x2100;
	[sflag:s24] =	ssyncadd.s32 $0xFFFFFFE0  }
0x24: {  	[tilespmem:s22], [sflag:$0x4] =	stream.indirect.gather [hbm4b:s10+s12], $0x80, s16, s12, $0xb8;
	[tilespmem:$0x8100] =	vst v63  }
0x25: {  	_ =	swait.ge [sflag:s24], $0x20  }
0x26: {  	[sflag:s24] =	ssyncset.done $0x0  }
0x27: {  	s26 =	simm.s32 $0x3100;
	[sflag:s24] =	ssyncadd.s32 $0xFFFFFFE0  }
0x28: {  	[tilespmem:s26], [sflag:$0x5] =	stream.indirect.gather [hbm4b:s10+s12], $0x80, s17, s12, $0xb8;
	[tilespmem:$0x8100] =	vst v63  }
0x29: {  	_ =	swait.ge [sflag:s24], $0x20  }
0x2a: {  	[sflag:s24] =	ssyncset.done $0x0  }
0x2b: {  	s28 =	simm.s32 $0x4100;
	[sflag:s24] =	ssyncadd.s32 $0xFFFFFFE0  }
0x2c: {  	[tilespmem:s28], [sflag:$0x6] =	stream.indirect.gather [hbm4b:s10+s12], $0x80, s18, s12, $0xb8;
	[tilespmem:$0x8100] =	vst v63  }
0x2d: {  	_ =	swait.ge [sflag:s24], $0x20  }
0x2e: {  	[sflag:s24] =	ssyncset.done $0x0  }
0x2f: {  	s29 =	simm.s32 $0x5100;
	[sflag:s24] =	ssyncadd.s32 $0xFFFFFFE0  }
0x30: {  	[tilespmem:s29], [sflag:$0x7] =	stream.indirect.gather [hbm4b:s10+s12], $0x80, s19, s12, $0xb8;
	[tilespmem:$0x8100] =	vst v63  }
0x31: {  	_ =	swait.ge [sflag:s24], $0x20  }
0x32: {  	[sflag:s24] =	ssyncset.done $0x0  }
0x33: {  	s30 =	simm.s32 $0x6100;
	[sflag:s24] =	ssyncadd.s32 $0xFFFFFFE0  }
0x34: {  	[tilespmem:s30], [sflag:$0x8] =	stream.indirect.gather [hbm4b:s10+s12], $0x80, s20, s12, $0xb8;
	[tilespmem:$0x8100] =	vst v63  }
0x35: {  	_ =	swait.ge [sflag:s24], $0x20  }
0x36: {  	[sflag:s24] =	ssyncset.done $0x0  }
0x37: {  	s31 =	simm.s32 $0x7100;
	s14 =	simm.s32 $0x2;
	[sflag:s24] =	ssyncadd.s32 $0xFFFFFFE0  }
0x38: {  	[tilespmem:s31], [sflag:$0x9] =	stream.indirect.gather [hbm4b:s10+s12], $0x80, s23, s12, $0xb8;
	[tilespmem:$0x8100] =	vst v63  }
0x39: {  	_ =	swait.ge [sflag:s14], $0x1000  }
0x3a: {  	s20 =	sshll.u32 s1, $0xC;
	[sflag:s14] =	ssyncset.done $0x0  }
0x3b: {  	s12 =	sadd.s32 s2, s20;
	s23 =	simm.s32 $0x3;
	[sflag:s14] =	ssyncadd.s32 $0xFFFFF000  }
0x3c: {  	[hbm4b:s12+s3] =	stream.linear.scatter [tilespmem:s25], [sflag:$0xA], $0x1000, $0x38;
	[tilespmem:$0x8100] =	vst v63  }
0x3d: {  	_ =	swait.ge [sflag:s23], $0x1000  }
0x3e: {  	s11 =	sshll.u32 s11, $0x4;
	[sflag:s23] =	ssyncset.done $0x0  }
0x3f: {  	s11 =	sadd.s32 s2, s11;
	s24 =	simm.s32 $0x4;
	[sflag:s23] =	ssyncadd.s32 $0xFFFFF000  }
0x40: {  	[hbm4b:s11+s3] =	stream.linear.scatter [tilespmem:s21], [sflag:$0xA], $0x1000, $0x38;
	[tilespmem:$0x8100] =	vst v63  }
0x41: {  	_ =	swait.ge [sflag:s24], $0x1000  }
0x42: {  	s9 =	sshll.u32 s9, $0x4;
	[sflag:s24] =	ssyncset.done $0x0  }
0x43: {  	s9 =	sadd.s32 s2, s9;
	s25 =	simm.s32 $0x5;
	[sflag:s24] =	ssyncadd.s32 $0xFFFFF000  }
0x44: {  	[hbm4b:s9+s3] =	stream.linear.scatter [tilespmem:s22], [sflag:$0xA], $0x1000, $0x38;
	[tilespmem:$0x8100] =	vst v63  }
0x45: {  	_ =	swait.ge [sflag:s25], $0x1000  }
0x46: {  	s8 =	sshll.u32 s8, $0x4;
	[sflag:s25] =	ssyncset.done $0x0  }
0x47: {  	s8 =	sadd.s32 s2, s8;
	[sflag:s25] =	ssyncadd.s32 $0xFFFFF000  }
0x48: {  	[hbm4b:s8+s3] =	stream.linear.scatter [tilespmem:s26], [sflag:$0xA], $0x1000, $0x38;
	[tilespmem:$0x8100] =	vst v63  }
0x49: {  	s26 =	simm.s32 $0x6  }
0x4a: {  	_ =	swait.ge [sflag:s26], $0x1000  }
0x4b: {  	s7 =	sshll.u32 s7, $0x4;
	[sflag:s26] =	ssyncset.done $0x0  }
0x4c: {  	s7 =	sadd.s32 s2, s7;
	[sflag:s26] =	ssyncadd.s32 $0xFFFFF000  }
0x4d: {  	[hbm4b:s7+s3] =	stream.linear.scatter [tilespmem:s28], [sflag:$0xA], $0x1000, $0x38;
	[tilespmem:$0x8100] =	vst v63  }
0x4e: {  	s28 =	simm.s32 $0x7  }
0x4f: {  	_ =	swait.ge [sflag:s28], $0x1000  }
0x50: {  	s5 =	sshll.u32 s5, $0x4;
	[sflag:s28] =	ssyncset.done $0x0  }
0x51: {  	s5 =	sadd.s32 s2, s5;
	[sflag:s28] =	ssyncadd.s32 $0xFFFFF000  }
0x52: {  	[hbm4b:s5+s3] =	stream.linear.scatter [tilespmem:s29], [sflag:$0xA], $0x1000, $0x38;
	[tilespmem:$0x8100] =	vst v63  }
0x53: {  	s29 =	simm.s32 $0x8  }
0x54: {  	_ =	swait.ge [sflag:s29], $0x1000  }
0x55: {  	s6 =	sshll.u32 s6, $0x4;
	[sflag:s29] =	ssyncset.done $0x0  }
0x56: {  	s6 =	sadd.s32 s2, s6;
	[sflag:s29] =	ssyncadd.s32 $0xFFFFF000  }
0x57: {  	[hbm4b:s6+s3] =	stream.linear.scatter [tilespmem:s30], [sflag:$0xA], $0x1000, $0x38;
	[tilespmem:$0x8100] =	vst v63  }
0x58: {  	s30 =	simm.s32 $0x9  }
0x59: {  	_ =	swait.ge [sflag:s30], $0x1000  }
0x5a: {  	s4 =	sshll.u32 s4, $0x4;
	[sflag:s30] =	ssyncset.done $0x0  }
0x5b: {  	s2 =	sadd.s32 s2, s4;
	[sflag:s30] =	ssyncadd.s32 $0xFFFFF000  }
0x5c: {  	[hbm4b:s2+s3] =	stream.linear.scatter [tilespmem:s31], [sflag:$0xA], $0x1000, $0x38;
	[tilespmem:$0x8100] =	vst v63  }
0x5d: {  	s31 =	simm.s32 $0xA  }
0x5e: {  	_ =	swait.ge [sflag:s31], $0x1000  }
0x5f: {  	[sflag:s31] =	ssyncset.done $0x0  }
0x60: {  	[sflag:s31] =	ssyncadd.s32 $0xFFFFF000  }
0x61: {  	_ =	swait.ge [sflag:s31], $0x1000  }
0x62: {  	[sflag:s31] =	ssyncset.done $0x0  }
0x63: {  	[sflag:s31] =	ssyncadd.s32 $0xFFFFF000  }
0x64: {  	_ =	swait.ge [sflag:s31], $0x1000  }
0x65: {  	[sflag:s31] =	ssyncset.done $0x0  }
0x66: {  	[sflag:s31] =	ssyncadd.s32 $0xFFFFF000  }
0x67: {  	_ =	swait.ge [sflag:s31], $0x1000  }
0x68: {  	[sflag:s31] =	ssyncset.done $0x0  }
0x69: {  	[sflag:s31] =	ssyncadd.s32 $0xFFFFF000  }
0x6a: {  	_ =	swait.ge [sflag:s31], $0x1000  }
0x6b: {  	[sflag:s31] =	ssyncset.done $0x0  }
0x6c: {  	[sflag:s31] =	ssyncadd.s32 $0xFFFFF000  }
0x6d: {  	_ =	swait.ge [sflag:s31], $0x1000  }
0x6e: {  	[sflag:s31] =	ssyncset.done $0x0  }
0x6f: {  	[sflag:s31] =	ssyncadd.s32 $0xFFFFF000  }
0x70: {  	_ =	swait.ge [sflag:s31], $0x1000  }
0x71: {  	[sflag:s31] =	ssyncset.done $0x0  }
0x72: {  	[sflag:s31] =	ssyncadd.s32 $0xFFFFF000  }
0x73: {  	_ =	swait.ge [sflag:s31], $0x1000  }
0x74: {  	[sflag:s31] =	ssyncset.done $0x0  }
0x75: {  	[sflag:s31] =	ssyncadd.s32 $0xFFFFF000  }
0x76: {  	_ =	sfence.sel $0x180000  }
0x77: {  	[bflag:$0x0] =	sbarrier.arrive $0xFFFF  }
0x78: {  	p0 =	sne.s32 s1, $0x0;
	_ =	strace $0x90000047  }
0x79: {  	s0 =	sadd.s32 @!p0 $0x100000, s0;
	[bflag:$0x2] =	sbarrier.arrive $0xFFFF  }
0x7a: {  	[sflag:s0] =	ssyncadd.tile.s32 @!p0 $0x1;
	_ =	shalt  }
.Lfunc_end2:
_tile_overlayer_lowered:
.L_overlay_start_2:
0x7b: {  	(tag) =	ssettag $0x2  }
0x7c: {  	s0 =	rddreg [dreg:$0x0];
	s2 =	stileid.u32  }
0x7d: {  	s1 =	rddreg [dreg:$0x1];
	p0 =	sne.s32 s2, $0x0  }
0x7e: {  	s3 =	rddreg [dreg:$0x2];
	[bflag:$0x3] =	sbarrier.arrive $0xFFFF;
	s2 =	simm.s32 @!p0 $0x1C0B  }
0x7f: {  	[timem:s3], [sflag:s2] =	dma.local @!p0 [hbm:s0], s1  }
0x80: {  	s0 =	simm.s32 @!p0 $0xB  }
0x81: {  	_ =	swait.ge @!p0 [sflag:s0], s1  }
0x82: {  	s1 =	ssub.s32 @!p0 $0x0, s1;
	[sflag:s0] =	ssyncset.done @!p0 $0x0  }
0x83: {  	[sflag:s0] =	ssyncadd.s32 @!p0 s1  }
0x84: {  	[bflag:$0x3] =	sbarrier.arrive $0xFFFF  }
0x85: {  	_ =	shalt  }

</sc_bundles>
